<compile_context>
chip_gen: v7x
topology: tpu7x:2x2x1
jax: 0.10.2.dev20260603
libtpu: 0.0.44.dev20260713+nightly
codegen_flags: <defaults>
</compile_context>

<pallas_src>
import functools

import jax
import jax.numpy as jnp
from jax import lax
from jax.experimental import pallas as pl
from jax.experimental.pallas import tpu as pltpu
from jax.experimental.pallas import tpu_sc as plsc

_VOCAB = 100000
_EMB = 128
_DP = 16
_BATCH = 4096
_SEQ = 200
_NW = 32
_RPW = _BATCH // _NW
_C = 4
_NCHUNK = _RPW // _C

_MM_BLK = 8192


def _matmul_body(*refs):
    emb_refs, wp_ref, out_ref = refs[:8], refs[8], refs[9]
    wp = wp_ref[...]
    for s in range(8):
        out_ref[:, 16 * s : 16 * (s + 1)] = jnp.dot(
            emb_refs[s][:, 0, 0, :],
            wp,
            preferred_element_type=jnp.float32,
        )


def _head_table(emb, wp):
    emb3 = emb.reshape(_VOCAB // 8, 8, 1, _EMB)
    blk = _MM_BLK // 8
    return pl.pallas_call(
        _matmul_body,
        grid=(pl.cdiv(_VOCAB // 8, blk),),
        in_specs=[
            pl.BlockSpec((blk, 1, 1, _EMB), lambda i, s=s: (i, s, 0, 0))
            for s in range(8)
        ]
        + [pl.BlockSpec((_EMB, _DP), lambda i: (0, 0))],
        out_specs=pl.BlockSpec((blk, _EMB), lambda i: (i, 0)),
        out_shape=jax.ShapeDtypeStruct((_VOCAB // 8, _EMB), jnp.float32),
    )(*([emb3] * 8), wp)


def _pooled_head(table, ids2, bpad):
    mesh = plsc.VectorSubcoreMesh(core_axis_name="c", subcore_axis_name="s")

    @functools.partial(
        pl.kernel,
        out_type=jax.ShapeDtypeStruct((_BATCH, _DP), jnp.float32),
        mesh=mesh,
        scratch_types=[
            pltpu.VMEM((_RPW, _SEQ), jnp.int32),
            pltpu.VMEM((8, _SEQ, _DP), jnp.float32),
            pltpu.VMEM((8, _DP), jnp.float32),
            pltpu.VMEM((_DP,), jnp.float32),
            pltpu.SemaphoreType.DMA((8,)),
        ],
        compiler_params=pltpu.CompilerParams(use_tc_tiling_on_sc=False),
    )
    def pool(table_hbm, ids_hbm, b_hbm, out_hbm, idx_v, rows_v, outc_v, b_v, sem):
        wid = lax.axis_index("s") * 2 + lax.axis_index("c")
        pltpu.sync_copy(b_hbm, b_v)
        b_vec = b_v[...]
        pltpu.sync_copy(ids_hbm.at[pl.ds(wid * _RPW, _RPW), :], idx_v)

        def gather_desc(row, buf):
            return pltpu.make_async_copy(
                table_hbm.at[idx_v.at[row]], rows_v.at[buf], sem.at[buf]
            )

        for p in range(7):
            gather_desc(p, p).start()

        @pl.loop(0, _RPW // 8)
        def _group(k):
            for buf in range(8):
                row = 8 * k + buf
                gather_desc(row, buf).wait()

                @pl.when(row + 7 < _RPW)
                def _prefetch():
                    gather_desc(row + 7, (buf + 7) % 8).start()

                def body(j, acc, buf=buf):
                    j8 = 8 * j
                    r = [rows_v[buf, j8 + t] for t in range(8)]
                    s0 = (r[0] + r[1]) + (r[2] + r[3])
                    s1 = (r[4] + r[5]) + (r[6] + r[7])
                    return acc + (s0 + s1)

                outc_v[buf] = lax.fori_loop(0, _SEQ // 8, body, b_vec)
            pltpu.sync_copy(outc_v, out_hbm.at[pl.ds(wid * _RPW + 8 * k, 8)])

    return pool(table, ids2, bpad)


def kernel(ids, emb, W, b):
    wp = jnp.zeros((_EMB, _DP), jnp.float32).at[:, :4].set(W.T * (1.0 / _SEQ))
    bpad = jnp.zeros((_DP,), jnp.float32).at[:4].set(b)
    table = _head_table(emb, wp).reshape(_VOCAB, _DP)
    out = _pooled_head(table, ids.astype(jnp.int32), bpad)
    return out[:, :4]

# --- scband reference (transcript-rebuilt; emitter-appended) ---
"""Pipeline reference for scband-nbo-w-7567732375653 (READ-ONLY COPY).

The authoritative reference and input builder live on the scoring server;
editing this copy changes nothing except your own understanding.
"""

import jax, jax.numpy as jnp
import numpy as np

VOCAB = 100000
EMB_DIM = 128
OUT_DIM = 4
PAD_IDX = 0

def setup_inputs(seed: int = 0) -> dict:
    key = jax.random.key(seed)
    k1, k2, k3, k4 = jax.random.split(key, 4)
    ids = jax.random.randint(k1, (4096, 200), 0, VOCAB)
    emb = jax.random.normal(k2, (VOCAB, EMB_DIM), dtype=jnp.float32)
    emb = emb.at[PAD_IDX].set(0.0)  # padding_idx row initialized to zeros, as in nn.Embedding
    W = jax.random.normal(k3, (OUT_DIM, EMB_DIM), dtype=jnp.float32) * 0.05
    b = jax.random.normal(k4, (OUT_DIM,), dtype=jnp.float32) * 0.05
    return {"ids": ids, "emb": emb, "W": W, "b": b}

def reference(ids, emb, W, b):
    # embedding lookup (gather)
    embedded = jnp.take(emb, ids, axis=0)        # [B, L, D]
    # mean pool over sequence dim
    pooled = embedded.mean(axis=1)               # [B, D]
    # linear head
    prediction = pooled @ W.T + b                # [B, OUT_DIM]
    return prediction

if __name__ == "__main__":
    import jax
    _d = setup_inputs()
    print(jax.jit(kernel)(*tuple(_d.values())))

</pallas_src>

<mosaic_0001>
#map = affine_map<(d0, d1) -> (0, 0)>
#map1 = affine_map<(d0, d1) -> (0)>
module attributes {stable_mosaic.version = 14 : i64} {
  func.func @pool(%arg0: i32, %arg1: i32, %arg2: memref<100000x16xf32, #tpu.memory_space<hbm>>, %arg3: memref<4096x200xi32, #tpu.memory_space<hbm>>, %arg4: memref<16xf32, #tpu.memory_space<hbm>>, %arg5: memref<4096x16xf32, #tpu.memory_space<hbm>>, %arg6: memref<128x200xi32, #tpu.memory_space<vmem>>, %arg7: memref<8x200x16xf32, #tpu.memory_space<vmem>>, %arg8: memref<8x16xf32, #tpu.memory_space<vmem>>, %arg9: memref<16xf32, #tpu.memory_space<vmem>>, %arg10: memref<8x!tpu.dma_semaphore, #tpu.memory_space<semaphore_mem>>) attributes {dimension_semantics = [#tpu.dimension_semantics<core_parallel>, #tpu.dimension_semantics<subcore_parallel>], iteration_bounds = array<i64: 2, 16>, scalar_prefetch = 0 : i64, scratch_operands = 5 : i64, tpu.core_type = #tpu.core_type<sc_vector_subcore>, window_params = [{transform_indices = #map}, {transform_indices = #map}, {transform_indices = #map1}, {transform_indices = #map}]} {
    %mul3A = arith.constant 2 : i32
    %mul3A_0 = arith.muli %arg1, %mul3A : i32
    %add3A = arith.addi %mul3A_0, %arg0 : i32
    "tpu.region"() ({
      %run_scoped3A = tpu.sem_alloc : memref<!tpu.dma_semaphore, #tpu.memory_space<semaphore_mem>>
      tpu.enqueue_dma source(%arg4 : memref<16xf32, #tpu.memory_space<hbm>>) target(%arg9 : memref<16xf32, #tpu.memory_space<vmem>>) target_semaphore(%run_scoped3A : memref<!tpu.dma_semaphore, #tpu.memory_space<semaphore_mem>>)
      tpu.wait_dma2 semaphore(%run_scoped3A : memref<!tpu.dma_semaphore, #tpu.memory_space<semaphore_mem>>) src(%arg4 : memref<16xf32, #tpu.memory_space<hbm>>) dst(%arg9 : memref<16xf32, #tpu.memory_space<vmem>>)
      tpu.yield
    }) : () -> ()
    %get3A = arith.constant 0 : index
    %get3A_1 = tpu.vector_load %arg9[%get3A] {strides = array<i32>} : memref<16xf32, #tpu.memory_space<vmem>>, vector<16xf32>,
    %get3A_2 = vector.shape_cast %get3A_1 : vector<16xf32> to vector<16xf32>
    %mul3A_3 = arith.constant 128 : i32
    %mul3A_4 = arith.muli %add3A, %mul3A_3 : i32
    "tpu.region"() ({
      %run_scoped3A = tpu.sem_alloc : memref<!tpu.dma_semaphore, #tpu.memory_space<semaphore_mem>>
      %dma_start3A_113 = arith.constant 0 : i32
      %dma_start3A_114 = tpu.memref_slice %arg3[%mul3A_4, %dma_start3A_113] : memref<4096x200xi32, #tpu.memory_space<hbm>> -> memref<128x200xi32, #tpu.memory_space<hbm>>
      %dma_start3A_115 = arith.constant 0 : i32
      %dma_start3A_116 = tpu.memref_slice %arg3[%mul3A_4, %dma_start3A_115] : memref<4096x200xi32, #tpu.memory_space<hbm>> -> memref<128x200xi32, #tpu.memory_space<hbm>>
      tpu.enqueue_dma source(%dma_start3A_116 : memref<128x200xi32, #tpu.memory_space<hbm>>) target(%arg6 : memref<128x200xi32, #tpu.memory_space<vmem>>) target_semaphore(%run_scoped3A : memref<!tpu.dma_semaphore, #tpu.memory_space<semaphore_mem>>)
      %dma_wait3A = arith.constant 0 : i32
      %dma_wait3A_117 = tpu.memref_slice %arg3[%mul3A_4, %dma_wait3A] : memref<4096x200xi32, #tpu.memory_space<hbm>> -> memref<128x200xi32, #tpu.memory_space<hbm>>
      %dma_wait3A_118 = arith.constant 0 : i32
      %dma_wait3A_119 = tpu.memref_slice %arg3[%mul3A_4, %dma_wait3A_118] : memref<4096x200xi32, #tpu.memory_space<hbm>> -> memref<128x200xi32, #tpu.memory_space<hbm>>
      tpu.wait_dma2 semaphore(%run_scoped3A : memref<!tpu.dma_semaphore, #tpu.memory_space<semaphore_mem>>) src(%dma_wait3A_119 : memref<128x200xi32, #tpu.memory_space<hbm>>) dst(%arg6 : memref<128x200xi32, #tpu.memory_space<vmem>>)
      tpu.yield
    }) : () -> ()
    %dma_start3A = arith.constant 0 : i32
    %dma_start3A_5 = arith.constant 0 : i32
    %dma_start3A_6 = arith.constant 0 : i32
    %dma_start3A_7 = arith.constant 0 : i32
    %dma_start3A_8 = arith.constant 0 : i32
    %dma_start3A_9 = tpu.memref_slice %arg7[%dma_start3A_5, %dma_start3A_7, %dma_start3A_8] : memref<8x200x16xf32, #tpu.memory_space<vmem>> -> memref<1x200x16xf32, #tpu.memory_space<vmem>>
    %dma_start3A_10 = tpu.memref_squeeze %dma_start3A_9 : memref<1x200x16xf32, #tpu.memory_space<vmem>> -> memref<200x16xf32, #tpu.memory_space<vmem>>
    %dma_start3A_11 = arith.constant 0 : i32
    %dma_start3A_12 = tpu.memref_slice %arg6[%dma_start3A, %dma_start3A_11] : memref<128x200xi32, #tpu.memory_space<vmem>> -> memref<1x200xi32, #tpu.memory_space<vmem>>
    %dma_start3A_13 = tpu.memref_squeeze %dma_start3A_12 : memref<1x200xi32, #tpu.memory_space<vmem>> -> memref<200xi32, #tpu.memory_space<vmem>>
    %dma_start3A_14 = arith.constant 0 : i32
    %dma_start3A_15 = arith.constant 0 : i32
    %dma_start3A_16 = tpu.memref_slice %arg2[%dma_start3A_14, %dma_start3A_15] : memref<100000x16xf32, #tpu.memory_space<hbm>> -> memref<100000x16xf32, #tpu.memory_space<hbm>>
    %dma_start3A_17 = tpu.memref_slice %arg10[%dma_start3A_6] : memref<8x!tpu.dma_semaphore, #tpu.memory_space<semaphore_mem>> -> memref<1x!tpu.dma_semaphore, #tpu.memory_space<semaphore_mem>>
    %dma_start3A_18 = tpu.memref_squeeze %dma_start3A_17 : memref<1x!tpu.dma_semaphore, #tpu.memory_space<semaphore_mem>> -> memref<!tpu.dma_semaphore, #tpu.memory_space<semaphore_mem>>
    tpu.enqueue_indirect_dma source(%dma_start3A_16 : memref<100000x16xf32, #tpu.memory_space<hbm>>) target(%dma_start3A_10 : memref<200x16xf32, #tpu.memory_space<vmem>>) offsets(%dma_start3A_13 : memref<200xi32, #tpu.memory_space<vmem>>) semaphore(%dma_start3A_18 : memref<!tpu.dma_semaphore, #tpu.memory_space<semaphore_mem>>)
    %dma_start3A_19 = arith.constant 1 : i32
    %dma_start3A_20 = arith.constant 1 : i32
    %dma_start3A_21 = arith.constant 1 : i32
    %dma_start3A_22 = arith.constant 0 : i32
    %dma_start3A_23 = arith.constant 0 : i32
    %dma_start3A_24 = tpu.memref_slice %arg7[%dma_start3A_20, %dma_start3A_22, %dma_start3A_23] : memref<8x200x16xf32, #tpu.memory_space<vmem>> -> memref<1x200x16xf32, #tpu.memory_space<vmem>>
    %dma_start3A_25 = tpu.memref_squeeze %dma_start3A_24 : memref<1x200x16xf32, #tpu.memory_space<vmem>> -> memref<200x16xf32, #tpu.memory_space<vmem>>
    %dma_start3A_26 = arith.constant 0 : i32
    %dma_start3A_27 = tpu.memref_slice %arg6[%dma_start3A_19, %dma_start3A_26] : memref<128x200xi32, #tpu.memory_space<vmem>> -> memref<1x200xi32, #tpu.memory_space<vmem>>
    %dma_start3A_28 = tpu.memref_squeeze %dma_start3A_27 : memref<1x200xi32, #tpu.memory_space<vmem>> -> memref<200xi32, #tpu.memory_space<vmem>>
    %dma_start3A_29 = arith.constant 0 : i32
    %dma_start3A_30 = arith.constant 0 : i32
    %dma_start3A_31 = tpu.memref_slice %arg2[%dma_start3A_29, %dma_start3A_30] : memref<100000x16xf32, #tpu.memory_space<hbm>> -> memref<100000x16xf32, #tpu.memory_space<hbm>>
    %dma_start3A_32 = tpu.memref_slice %arg10[%dma_start3A_21] : memref<8x!tpu.dma_semaphore, #tpu.memory_space<semaphore_mem>> -> memref<1x!tpu.dma_semaphore, #tpu.memory_space<semaphore_mem>>
    %dma_start3A_33 = tpu.memref_squeeze %dma_start3A_32 : memref<1x!tpu.dma_semaphore, #tpu.memory_space<semaphore_mem>> -> memref<!tpu.dma_semaphore, #tpu.memory_space<semaphore_mem>>
    tpu.enqueue_indirect_dma source(%dma_start3A_31 : memref<100000x16xf32, #tpu.memory_space<hbm>>) target(%dma_start3A_25 : memref<200x16xf32, #tpu.memory_space<vmem>>) offsets(%dma_start3A_28 : memref<200xi32, #tpu.memory_space<vmem>>) semaphore(%dma_start3A_33 : memref<!tpu.dma_semaphore, #tpu.memory_space<semaphore_mem>>)
    %dma_start3A_34 = arith.constant 2 : i32
    %dma_start3A_35 = arith.constant 2 : i32
    %dma_start3A_36 = arith.constant 2 : i32
    %dma_start3A_37 = arith.constant 0 : i32
    %dma_start3A_38 = arith.constant 0 : i32
    %dma_start3A_39 = tpu.memref_slice %arg7[%dma_start3A_35, %dma_start3A_37, %dma_start3A_38] : memref<8x200x16xf32, #tpu.memory_space<vmem>> -> memref<1x200x16xf32, #tpu.memory_space<vmem>>
    %dma_start3A_40 = tpu.memref_squeeze %dma_start3A_39 : memref<1x200x16xf32, #tpu.memory_space<vmem>> -> memref<200x16xf32, #tpu.memory_space<vmem>>
    %dma_start3A_41 = arith.constant 0 : i32
    %dma_start3A_42 = tpu.memref_slice %arg6[%dma_start3A_34, %dma_start3A_41] : memref<128x200xi32, #tpu.memory_space<vmem>> -> memref<1x200xi32, #tpu.memory_space<vmem>>
    %dma_start3A_43 = tpu.memref_squeeze %dma_start3A_42 : memref<1x200xi32, #tpu.memory_space<vmem>> -> memref<200xi32, #tpu.memory_space<vmem>>
    %dma_start3A_44 = arith.constant 0 : i32
    %dma_start3A_45 = arith.constant 0 : i32
    %dma_start3A_46 = tpu.memref_slice %arg2[%dma_start3A_44, %dma_start3A_45] : memref<100000x16xf32, #tpu.memory_space<hbm>> -> memref<100000x16xf32, #tpu.memory_space<hbm>>
    %dma_start3A_47 = tpu.memref_slice %arg10[%dma_start3A_36] : memref<8x!tpu.dma_semaphore, #tpu.memory_space<semaphore_mem>> -> memref<1x!tpu.dma_semaphore, #tpu.memory_space<semaphore_mem>>
    %dma_start3A_48 = tpu.memref_squeeze %dma_start3A_47 : memref<1x!tpu.dma_semaphore, #tpu.memory_space<semaphore_mem>> -> memref<!tpu.dma_semaphore, #tpu.memory_space<semaphore_mem>>
    tpu.enqueue_indirect_dma source(%dma_start3A_46 : memref<100000x16xf32, #tpu.memory_space<hbm>>) target(%dma_start3A_40 : memref<200x16xf32, #tpu.memory_space<vmem>>) offsets(%dma_start3A_43 : memref<200xi32, #tpu.memory_space<vmem>>) semaphore(%dma_start3A_48 : memref<!tpu.dma_semaphore, #tpu.memory_space<semaphore_mem>>)
    %dma_start3A_49 = arith.constant 3 : i32
    %dma_start3A_50 = arith.constant 3 : i32
    %dma_start3A_51 = arith.constant 3 : i32
    %dma_start3A_52 = arith.constant 0 : i32
    %dma_start3A_53 = arith.constant 0 : i32
    %dma_start3A_54 = tpu.memref_slice %arg7[%dma_start3A_50, %dma_start3A_52, %dma_start3A_53] : memref<8x200x16xf32, #tpu.memory_space<vmem>> -> memref<1x200x16xf32, #tpu.memory_space<vmem>>
    %dma_start3A_55 = tpu.memref_squeeze %dma_start3A_54 : memref<1x200x16xf32, #tpu.memory_space<vmem>> -> memref<200x16xf32, #tpu.memory_space<vmem>>
    %dma_start3A_56 = arith.constant 0 : i32
    %dma_start3A_57 = tpu.memref_slice %arg6[%dma_start3A_49, %dma_start3A_56] : memref<128x200xi32, #tpu.memory_space<vmem>> -> memref<1x200xi32, #tpu.memory_space<vmem>>
    %dma_start3A_58 = tpu.memref_squeeze %dma_start3A_57 : memref<1x200xi32, #tpu.memory_space<vmem>> -> memref<200xi32, #tpu.memory_space<vmem>>
    %dma_start3A_59 = arith.constant 0 : i32
    %dma_start3A_60 = arith.constant 0 : i32
    %dma_start3A_61 = tpu.memref_slice %arg2[%dma_start3A_59, %dma_start3A_60] : memref<100000x16xf32, #tpu.memory_space<hbm>> -> memref<100000x16xf32, #tpu.memory_space<hbm>>
    %dma_start3A_62 = tpu.memref_slice %arg10[%dma_start3A_51] : memref<8x!tpu.dma_semaphore, #tpu.memory_space<semaphore_mem>> -> memref<1x!tpu.dma_semaphore, #tpu.memory_space<semaphore_mem>>
    %dma_start3A_63 = tpu.memref_squeeze %dma_start3A_62 : memref<1x!tpu.dma_semaphore, #tpu.memory_space<semaphore_mem>> -> memref<!tpu.dma_semaphore, #tpu.memory_space<semaphore_mem>>
    tpu.enqueue_indirect_dma source(%dma_start3A_61 : memref<100000x16xf32, #tpu.memory_space<hbm>>) target(%dma_start3A_55 : memref<200x16xf32, #tpu.memory_space<vmem>>) offsets(%dma_start3A_58 : memref<200xi32, #tpu.memory_space<vmem>>) semaphore(%dma_start3A_63 : memref<!tpu.dma_semaphore, #tpu.memory_space<semaphore_mem>>)
    %dma_start3A_64 = arith.constant 4 : i32
    %dma_start3A_65 = arith.constant 4 : i32
    %dma_start3A_66 = arith.constant 4 : i32
    %dma_start3A_67 = arith.constant 0 : i32
    %dma_start3A_68 = arith.constant 0 : i32
    %dma_start3A_69 = tpu.memref_slice %arg7[%dma_start3A_65, %dma_start3A_67, %dma_start3A_68] : memref<8x200x16xf32, #tpu.memory_space<vmem>> -> memref<1x200x16xf32, #tpu.memory_space<vmem>>
    %dma_start3A_70 = tpu.memref_squeeze %dma_start3A_69 : memref<1x200x16xf32, #tpu.memory_space<vmem>> -> memref<200x16xf32, #tpu.memory_space<vmem>>
    %dma_start3A_71 = arith.constant 0 : i32
    %dma_start3A_72 = tpu.memref_slice %arg6[%dma_start3A_64, %dma_start3A_71] : memref<128x200xi32, #tpu.memory_space<vmem>> -> memref<1x200xi32, #tpu.memory_space<vmem>>
    %dma_start3A_73 = tpu.memref_squeeze %dma_start3A_72 : memref<1x200xi32, #tpu.memory_space<vmem>> -> memref<200xi32, #tpu.memory_space<vmem>>
    %dma_start3A_74 = arith.constant 0 : i32
    %dma_start3A_75 = arith.constant 0 : i32
    %dma_start3A_76 = tpu.memref_slice %arg2[%dma_start3A_74, %dma_start3A_75] : memref<100000x16xf32, #tpu.memory_space<hbm>> -> memref<100000x16xf32, #tpu.memory_space<hbm>>
    %dma_start3A_77 = tpu.memref_slice %arg10[%dma_start3A_66] : memref<8x!tpu.dma_semaphore, #tpu.memory_space<semaphore_mem>> -> memref<1x!tpu.dma_semaphore, #tpu.memory_space<semaphore_mem>>
    %dma_start3A_78 = tpu.memref_squeeze %dma_start3A_77 : memref<1x!tpu.dma_semaphore, #tpu.memory_space<semaphore_mem>> -> memref<!tpu.dma_semaphore, #tpu.memory_space<semaphore_mem>>
    tpu.enqueue_indirect_dma source(%dma_start3A_76 : memref<100000x16xf32, #tpu.memory_space<hbm>>) target(%dma_start3A_70 : memref<200x16xf32, #tpu.memory_space<vmem>>) offsets(%dma_start3A_73 : memref<200xi32, #tpu.memory_space<vmem>>) semaphore(%dma_start3A_78 : memref<!tpu.dma_semaphore, #tpu.memory_space<semaphore_mem>>)
    %dma_start3A_79 = arith.constant 5 : i32
    %dma_start3A_80 = arith.constant 5 : i32
    %dma_start3A_81 = arith.constant 5 : i32
    %dma_start3A_82 = arith.constant 0 : i32
    %dma_start3A_83 = arith.constant 0 : i32
    %dma_start3A_84 = tpu.memref_slice %arg7[%dma_start3A_80, %dma_start3A_82, %dma_start3A_83] : memref<8x200x16xf32, #tpu.memory_space<vmem>> -> memref<1x200x16xf32, #tpu.memory_space<vmem>>
    %dma_start3A_85 = tpu.memref_squeeze %dma_start3A_84 : memref<1x200x16xf32, #tpu.memory_space<vmem>> -> memref<200x16xf32, #tpu.memory_space<vmem>>
    %dma_start3A_86 = arith.constant 0 : i32
    %dma_start3A_87 = tpu.memref_slice %arg6[%dma_start3A_79, %dma_start3A_86] : memref<128x200xi32, #tpu.memory_space<vmem>> -> memref<1x200xi32, #tpu.memory_space<vmem>>
    %dma_start3A_88 = tpu.memref_squeeze %dma_start3A_87 : memref<1x200xi32, #tpu.memory_space<vmem>> -> memref<200xi32, #tpu.memory_space<vmem>>
    %dma_start3A_89 = arith.constant 0 : i32
    %dma_start3A_90 = arith.constant 0 : i32
    %dma_start3A_91 = tpu.memref_slice %arg2[%dma_start3A_89, %dma_start3A_90] : memref<100000x16xf32, #tpu.memory_space<hbm>> -> memref<100000x16xf32, #tpu.memory_space<hbm>>
    %dma_start3A_92 = tpu.memref_slice %arg10[%dma_start3A_81] : memref<8x!tpu.dma_semaphore, #tpu.memory_space<semaphore_mem>> -> memref<1x!tpu.dma_semaphore, #tpu.memory_space<semaphore_mem>>
    %dma_start3A_93 = tpu.memref_squeeze %dma_start3A_92 : memref<1x!tpu.dma_semaphore, #tpu.memory_space<semaphore_mem>> -> memref<!tpu.dma_semaphore, #tpu.memory_space<semaphore_mem>>
    tpu.enqueue_indirect_dma source(%dma_start3A_91 : memref<100000x16xf32, #tpu.memory_space<hbm>>) target(%dma_start3A_85 : memref<200x16xf32, #tpu.memory_space<vmem>>) offsets(%dma_start3A_88 : memref<200xi32, #tpu.memory_space<vmem>>) semaphore(%dma_start3A_93 : memref<!tpu.dma_semaphore, #tpu.memory_space<semaphore_mem>>)
    %dma_start3A_94 = arith.constant 6 : i32
    %dma_start3A_95 = arith.constant 6 : i32
    %dma_start3A_96 = arith.constant 6 : i32
    %dma_start3A_97 = arith.constant 0 : i32
    %dma_start3A_98 = arith.constant 0 : i32
    %dma_start3A_99 = tpu.memref_slice %arg7[%dma_start3A_95, %dma_start3A_97, %dma_start3A_98] : memref<8x200x16xf32, #tpu.memory_space<vmem>> -> memref<1x200x16xf32, #tpu.memory_space<vmem>>
    %dma_start3A_100 = tpu.memref_squeeze %dma_start3A_99 : memref<1x200x16xf32, #tpu.memory_space<vmem>> -> memref<200x16xf32, #tpu.memory_space<vmem>>
    %dma_start3A_101 = arith.constant 0 : i32
    %dma_start3A_102 = tpu.memref_slice %arg6[%dma_start3A_94, %dma_start3A_101] : memref<128x200xi32, #tpu.memory_space<vmem>> -> memref<1x200xi32, #tpu.memory_space<vmem>>
    %dma_start3A_103 = tpu.memref_squeeze %dma_start3A_102 : memref<1x200xi32, #tpu.memory_space<vmem>> -> memref<200xi32, #tpu.memory_space<vmem>>
    %dma_start3A_104 = arith.constant 0 : i32
    %dma_start3A_105 = arith.constant 0 : i32
    %dma_start3A_106 = tpu.memref_slice %arg2[%dma_start3A_104, %dma_start3A_105] : memref<100000x16xf32, #tpu.memory_space<hbm>> -> memref<100000x16xf32, #tpu.memory_space<hbm>>
    %dma_start3A_107 = tpu.memref_slice %arg10[%dma_start3A_96] : memref<8x!tpu.dma_semaphore, #tpu.memory_space<semaphore_mem>> -> memref<1x!tpu.dma_semaphore, #tpu.memory_space<semaphore_mem>>
    %dma_start3A_108 = tpu.memref_squeeze %dma_start3A_107 : memref<1x!tpu.dma_semaphore, #tpu.memory_space<semaphore_mem>> -> memref<!tpu.dma_semaphore, #tpu.memory_space<semaphore_mem>>
    tpu.enqueue_indirect_dma source(%dma_start3A_106 : memref<100000x16xf32, #tpu.memory_space<hbm>>) target(%dma_start3A_100 : memref<200x16xf32, #tpu.memory_space<vmem>>) offsets(%dma_start3A_103 : memref<200xi32, #tpu.memory_space<vmem>>) semaphore(%dma_start3A_108 : memref<!tpu.dma_semaphore, #tpu.memory_space<semaphore_mem>>)
    %scan3A = arith.constant 0 : i32
    %scan3A_109 = arith.constant 16 : i32
    %scan3A_110 = arith.addi %scan3A, %scan3A_109 : i32
    %scan3A_111 = arith.constant 1 : i32
    scf.for %scan3A_113 = %scan3A to %scan3A_110 step %scan3A_111  : i32 {
      %mul3A_114 = arith.constant 1 : i32
      %mul3A_115 = arith.muli %scan3A_113, %mul3A_114 : i32
      %add3A_116 = arith.constant 0 : i32
      %add3A_117 = arith.addi %add3A_116, %mul3A_115 : i32
      %mul3A_118 = arith.constant 8 : i32
      %mul3A_119 = arith.muli %mul3A_118, %add3A_117 : i32
      %add3A_120 = arith.constant 0 : i32
      %add3A_121 = arith.addi %mul3A_119, %add3A_120 : i32
      %dma_wait3A = arith.constant 0 : i32
      %dma_wait3A_122 = arith.constant 0 : i32
      %dma_wait3A_123 = arith.constant 0 : i32
      %dma_wait3A_124 = arith.constant 0 : i32
      %dma_wait3A_125 = tpu.memref_slice %arg7[%dma_wait3A, %dma_wait3A_123, %dma_wait3A_124] : memref<8x200x16xf32, #tpu.memory_space<vmem>> -> memref<1x200x16xf32, #tpu.memory_space<vmem>>
      %dma_wait3A_126 = tpu.memref_squeeze %dma_wait3A_125 : memref<1x200x16xf32, #tpu.memory_space<vmem>> -> memref<200x16xf32, #tpu.memory_space<vmem>>
      %dma_wait3A_127 = arith.constant 0 : i32
      %dma_wait3A_128 = tpu.memref_slice %arg6[%add3A_121, %dma_wait3A_127] : memref<128x200xi32, #tpu.memory_space<vmem>> -> memref<1x200xi32, #tpu.memory_space<vmem>>
      %dma_wait3A_129 = tpu.memref_squeeze %dma_wait3A_128 : memref<1x200xi32, #tpu.memory_space<vmem>> -> memref<200xi32, #tpu.memory_space<vmem>>
      %dma_wait3A_130 = arith.constant 0 : i32
      %dma_wait3A_131 = arith.constant 0 : i32
      %dma_wait3A_132 = tpu.memref_slice %arg2[%dma_wait3A_130, %dma_wait3A_131] : memref<100000x16xf32, #tpu.memory_space<hbm>> -> memref<100000x16xf32, #tpu.memory_space<hbm>>
      %dma_wait3A_133 = tpu.memref_slice %arg10[%dma_wait3A_122] : memref<8x!tpu.dma_semaphore, #tpu.memory_space<semaphore_mem>> -> memref<1x!tpu.dma_semaphore, #tpu.memory_space<semaphore_mem>>
      %dma_wait3A_134 = tpu.memref_squeeze %dma_wait3A_133 : memref<1x!tpu.dma_semaphore, #tpu.memory_space<semaphore_mem>> -> memref<!tpu.dma_semaphore, #tpu.memory_space<semaphore_mem>>
      tpu.wait_indirect_dma semaphore(%dma_wait3A_134 : memref<!tpu.dma_semaphore, #tpu.memory_space<semaphore_mem>>) src(%dma_wait3A_132 : memref<100000x16xf32, #tpu.memory_space<hbm>>) dst(%dma_wait3A_126 : memref<200x16xf32, #tpu.memory_space<vmem>>)
      %add3A_135 = arith.constant 7 : i32
      %add3A_136 = arith.addi %add3A_121, %add3A_135 : i32
      %lt3A = arith.constant 128 : i32
      %lt3A_137 = arith.cmpi slt, %add3A_136, %lt3A : i32
      %convert_element_type3A = arith.extui %lt3A_137 : i1 to i32
      %cond3A = arith.constant 0 : i32
      %cond3A_138 = arith.cmpi ne, %convert_element_type3A, %cond3A : i32
      scf.if %cond3A_138 {
        %add3A_414 = arith.constant 7 : i32
        %add3A_415 = arith.addi %add3A_121, %add3A_414 : i32
        %dma_start3A_416 = arith.constant 7 : i32
        %dma_start3A_417 = arith.constant 7 : i32
        %dma_start3A_418 = arith.constant 0 : i32
        %dma_start3A_419 = arith.constant 0 : i32
        %dma_start3A_420 = tpu.memref_slice %arg7[%dma_start3A_416, %dma_start3A_418, %dma_start3A_419] : memref<8x200x16xf32, #tpu.memory_space<vmem>> -> memref<1x200x16xf32, #tpu.memory_space<vmem>>
        %dma_start3A_421 = tpu.memref_squeeze %dma_start3A_420 : memref<1x200x16xf32, #tpu.memory_space<vmem>> -> memref<200x16xf32, #tpu.memory_space<vmem>>
        %dma_start3A_422 = arith.constant 0 : i32
        %dma_start3A_423 = tpu.memref_slice %arg6[%add3A_415, %dma_start3A_422] : memref<128x200xi32, #tpu.memory_space<vmem>> -> memref<1x200xi32, #tpu.memory_space<vmem>>
        %dma_start3A_424 = tpu.memref_squeeze %dma_start3A_423 : memref<1x200xi32, #tpu.memory_space<vmem>> -> memref<200xi32, #tpu.memory_space<vmem>>
        %dma_start3A_425 = arith.constant 0 : i32
        %dma_start3A_426 = arith.constant 0 : i32
        %dma_start3A_427 = tpu.memref_slice %arg2[%dma_start3A_425, %dma_start3A_426] : memref<100000x16xf32, #tpu.memory_space<hbm>> -> memref<100000x16xf32, #tpu.memory_space<hbm>>
        %dma_start3A_428 = tpu.memref_slice %arg10[%dma_start3A_417] : memref<8x!tpu.dma_semaphore, #tpu.memory_space<semaphore_mem>> -> memref<1x!tpu.dma_semaphore, #tpu.memory_space<semaphore_mem>>
        %dma_start3A_429 = tpu.memref_squeeze %dma_start3A_428 : memref<1x!tpu.dma_semaphore, #tpu.memory_space<semaphore_mem>> -> memref<!tpu.dma_semaphore, #tpu.memory_space<semaphore_mem>>
        tpu.enqueue_indirect_dma source(%dma_start3A_427 : memref<100000x16xf32, #tpu.memory_space<hbm>>) target(%dma_start3A_421 : memref<200x16xf32, #tpu.memory_space<vmem>>) offsets(%dma_start3A_424 : memref<200xi32, #tpu.memory_space<vmem>>) semaphore(%dma_start3A_429 : memref<!tpu.dma_semaphore, #tpu.memory_space<semaphore_mem>>)
      } else {
      }
      %scan3A_139 = arith.constant 0 : i32
      %scan3A_140 = arith.constant 25 : i32
      %scan3A_141 = arith.addi %scan3A_139, %scan3A_140 : i32
      %scan3A_142 = arith.constant 1 : i32
      %scan3A_143 = scf.for %scan3A_414 = %scan3A_139 to %scan3A_141 step %scan3A_142 iter_args(%scan3A_415 = %get3A_2) -> (vector<16xf32>)  : i32 {
        %mul3A_416 = arith.constant 8 : i32
        %mul3A_417 = arith.muli %mul3A_416, %scan3A_414 : i32
        %add3A_418 = arith.constant 0 : i32
        %add3A_419 = arith.addi %mul3A_417, %add3A_418 : i32
        %get3A_420 = arith.constant 0 : i32
        %get3A_421 = arith.index_cast %get3A_420 : i32 to index
        %get3A_422 = arith.index_cast %add3A_419 : i32 to index
        %get3A_423 = arith.constant 0 : index
        %get3A_424 = tpu.vector_load %arg7[%get3A_421, %get3A_422, %get3A_423] {strides = array<i32>} : memref<8x200x16xf32, #tpu.memory_space<vmem>>, vector<1x1x16xf32>,
        %get3A_425 = vector.shape_cast %get3A_424 : vector<1x1x16xf32> to vector<16xf32>
        %add3A_426 = arith.constant 1 : i32
        %add3A_427 = arith.addi %mul3A_417, %add3A_426 : i32
        %get3A_428 = arith.constant 0 : i32
        %get3A_429 = arith.index_cast %get3A_428 : i32 to index
        %get3A_430 = arith.index_cast %add3A_427 : i32 to index
        %get3A_431 = arith.constant 0 : index
        %get3A_432 = tpu.vector_load %arg7[%get3A_429, %get3A_430, %get3A_431] {strides = array<i32>} : memref<8x200x16xf32, #tpu.memory_space<vmem>>, vector<1x1x16xf32>,
        %get3A_433 = vector.shape_cast %get3A_432 : vector<1x1x16xf32> to vector<16xf32>
        %add3A_434 = arith.constant 2 : i32
        %add3A_435 = arith.addi %mul3A_417, %add3A_434 : i32
        %get3A_436 = arith.constant 0 : i32
        %get3A_437 = arith.index_cast %get3A_436 : i32 to index
        %get3A_438 = arith.index_cast %add3A_435 : i32 to index
        %get3A_439 = arith.constant 0 : index
        %get3A_440 = tpu.vector_load %arg7[%get3A_437, %get3A_438, %get3A_439] {strides = array<i32>} : memref<8x200x16xf32, #tpu.memory_space<vmem>>, vector<1x1x16xf32>,
        %get3A_441 = vector.shape_cast %get3A_440 : vector<1x1x16xf32> to vector<16xf32>
        %add3A_442 = arith.constant 3 : i32
        %add3A_443 = arith.addi %mul3A_417, %add3A_442 : i32
        %get3A_444 = arith.constant 0 : i32
        %get3A_445 = arith.index_cast %get3A_444 : i32 to index
        %get3A_446 = arith.index_cast %add3A_443 : i32 to index
        %get3A_447 = arith.constant 0 : index
        %get3A_448 = tpu.vector_load %arg7[%get3A_445, %get3A_446, %get3A_447] {strides = array<i32>} : memref<8x200x16xf32, #tpu.memory_space<vmem>>, vector<1x1x16xf32>,
        %get3A_449 = vector.shape_cast %get3A_448 : vector<1x1x16xf32> to vector<16xf32>
        %add3A_450 = arith.constant 4 : i32
        %add3A_451 = arith.addi %mul3A_417, %add3A_450 : i32
        %get3A_452 = arith.constant 0 : i32
        %get3A_453 = arith.index_cast %get3A_452 : i32 to index
        %get3A_454 = arith.index_cast %add3A_451 : i32 to index
        %get3A_455 = arith.constant 0 : index
        %get3A_456 = tpu.vector_load %arg7[%get3A_453, %get3A_454, %get3A_455] {strides = array<i32>} : memref<8x200x16xf32, #tpu.memory_space<vmem>>, vector<1x1x16xf32>,
        %get3A_457 = vector.shape_cast %get3A_456 : vector<1x1x16xf32> to vector<16xf32>
        %add3A_458 = arith.constant 5 : i32
        %add3A_459 = arith.addi %mul3A_417, %add3A_458 : i32
        %get3A_460 = arith.constant 0 : i32
        %get3A_461 = arith.index_cast %get3A_460 : i32 to index
        %get3A_462 = arith.index_cast %add3A_459 : i32 to index
        %get3A_463 = arith.constant 0 : index
        %get3A_464 = tpu.vector_load %arg7[%get3A_461, %get3A_462, %get3A_463] {strides = array<i32>} : memref<8x200x16xf32, #tpu.memory_space<vmem>>, vector<1x1x16xf32>,
        %get3A_465 = vector.shape_cast %get3A_464 : vector<1x1x16xf32> to vector<16xf32>
        %add3A_466 = arith.constant 6 : i32
        %add3A_467 = arith.addi %mul3A_417, %add3A_466 : i32
        %get3A_468 = arith.constant 0 : i32
        %get3A_469 = arith.index_cast %get3A_468 : i32 to index
        %get3A_470 = arith.index_cast %add3A_467 : i32 to index
        %get3A_471 = arith.constant 0 : index
        %get3A_472 = tpu.vector_load %arg7[%get3A_469, %get3A_470, %get3A_471] {strides = array<i32>} : memref<8x200x16xf32, #tpu.memory_space<vmem>>, vector<1x1x16xf32>,
        %get3A_473 = vector.shape_cast %get3A_472 : vector<1x1x16xf32> to vector<16xf32>
        %add3A_474 = arith.constant 7 : i32
        %add3A_475 = arith.addi %mul3A_417, %add3A_474 : i32
        %get3A_476 = arith.constant 0 : i32
        %get3A_477 = arith.index_cast %get3A_476 : i32 to index
        %get3A_478 = arith.index_cast %add3A_475 : i32 to index
        %get3A_479 = arith.constant 0 : index
        %get3A_480 = tpu.vector_load %arg7[%get3A_477, %get3A_478, %get3A_479] {strides = array<i32>} : memref<8x200x16xf32, #tpu.memory_space<vmem>>, vector<1x1x16xf32>,
        %get3A_481 = vector.shape_cast %get3A_480 : vector<1x1x16xf32> to vector<16xf32>
        %add3A_482 = arith.addf %get3A_425, %get3A_433 : vector<16xf32>
        %add3A_483 = arith.addf %get3A_441, %get3A_449 : vector<16xf32>
        %add3A_484 = arith.addf %add3A_482, %add3A_483 : vector<16xf32>
        %add3A_485 = arith.addf %get3A_457, %get3A_465 : vector<16xf32>
        %add3A_486 = arith.addf %get3A_473, %get3A_481 : vector<16xf32>
        %add3A_487 = arith.addf %add3A_485, %add3A_486 : vector<16xf32>
        %add3A_488 = arith.addf %add3A_484, %add3A_487 : vector<16xf32>
        %add3A_489 = arith.addf %scan3A_415, %add3A_488 : vector<16xf32>
        scf.yield %add3A_489 : vector<16xf32>
      }
      %scan3A_144 = arith.constant 25 : i32
      %swap3A = arith.constant 0 : i32
      %swap3A_145 = arith.index_cast %swap3A : i32 to index
      %swap3A_146 = arith.constant 0 : index
      %swap3A_147 = tpu.vector_load %arg8[%swap3A_145, %swap3A_146] {strides = array<i32>} : memref<8x16xf32, #tpu.memory_space<vmem>>, vector<1x16xf32>,
      %swap3A_148 = vector.shape_cast %swap3A_147 : vector<1x16xf32> to vector<16xf32>
      %swap3A_149 = vector.shape_cast %scan3A_143 : vector<16xf32> to vector<1x16xf32>
      tpu.vector_store %arg8[%swap3A_145, %swap3A_146], %swap3A_149 {strides = array<i32>} : memref<8x16xf32, #tpu.memory_space<vmem>>, vector<1x16xf32>,
      %mul3A_150 = arith.constant 8 : i32
      %mul3A_151 = arith.muli %mul3A_150, %add3A_117 : i32
      %add3A_152 = arith.constant 1 : i32
      %add3A_153 = arith.addi %mul3A_151, %add3A_152 : i32
      %dma_wait3A_154 = arith.constant 1 : i32
      %dma_wait3A_155 = arith.constant 1 : i32
      %dma_wait3A_156 = arith.constant 0 : i32
      %dma_wait3A_157 = arith.constant 0 : i32
      %dma_wait3A_158 = tpu.memref_slice %arg7[%dma_wait3A_154, %dma_wait3A_156, %dma_wait3A_157] : memref<8x200x16xf32, #tpu.memory_space<vmem>> -> memref<1x200x16xf32, #tpu.memory_space<vmem>>
      %dma_wait3A_159 = tpu.memref_squeeze %dma_wait3A_158 : memref<1x200x16xf32, #tpu.memory_space<vmem>> -> memref<200x16xf32, #tpu.memory_space<vmem>>
      %dma_wait3A_160 = arith.constant 0 : i32
      %dma_wait3A_161 = tpu.memref_slice %arg6[%add3A_153, %dma_wait3A_160] : memref<128x200xi32, #tpu.memory_space<vmem>> -> memref<1x200xi32, #tpu.memory_space<vmem>>
      %dma_wait3A_162 = tpu.memref_squeeze %dma_wait3A_161 : memref<1x200xi32, #tpu.memory_space<vmem>> -> memref<200xi32, #tpu.memory_space<vmem>>
      %dma_wait3A_163 = arith.constant 0 : i32
      %dma_wait3A_164 = arith.constant 0 : i32
      %dma_wait3A_165 = tpu.memref_slice %arg2[%dma_wait3A_163, %dma_wait3A_164] : memref<100000x16xf32, #tpu.memory_space<hbm>> -> memref<100000x16xf32, #tpu.memory_space<hbm>>
      %dma_wait3A_166 = tpu.memref_slice %arg10[%dma_wait3A_155] : memref<8x!tpu.dma_semaphore, #tpu.memory_space<semaphore_mem>> -> memref<1x!tpu.dma_semaphore, #tpu.memory_space<semaphore_mem>>
      %dma_wait3A_167 = tpu.memref_squeeze %dma_wait3A_166 : memref<1x!tpu.dma_semaphore, #tpu.memory_space<semaphore_mem>> -> memref<!tpu.dma_semaphore, #tpu.memory_space<semaphore_mem>>
      tpu.wait_indirect_dma semaphore(%dma_wait3A_167 : memref<!tpu.dma_semaphore, #tpu.memory_space<semaphore_mem>>) src(%dma_wait3A_165 : memref<100000x16xf32, #tpu.memory_space<hbm>>) dst(%dma_wait3A_159 : memref<200x16xf32, #tpu.memory_space<vmem>>)
      %add3A_168 = arith.constant 7 : i32
      %add3A_169 = arith.addi %add3A_153, %add3A_168 : i32
      %lt3A_170 = arith.constant 128 : i32
      %lt3A_171 = arith.cmpi slt, %add3A_169, %lt3A_170 : i32
      %convert_element_type3A_172 = arith.extui %lt3A_171 : i1 to i32
      %cond3A_173 = arith.constant 0 : i32
      %cond3A_174 = arith.cmpi ne, %convert_element_type3A_172, %cond3A_173 : i32
      scf.if %cond3A_174 {
        %add3A_414 = arith.constant 7 : i32
        %add3A_415 = arith.addi %add3A_153, %add3A_414 : i32
        %dma_start3A_416 = arith.constant 0 : i32
        %dma_start3A_417 = arith.constant 0 : i32
        %dma_start3A_418 = arith.constant 0 : i32
        %dma_start3A_419 = arith.constant 0 : i32
        %dma_start3A_420 = tpu.memref_slice %arg7[%dma_start3A_416, %dma_start3A_418, %dma_start3A_419] : memref<8x200x16xf32, #tpu.memory_space<vmem>> -> memref<1x200x16xf32, #tpu.memory_space<vmem>>
        %dma_start3A_421 = tpu.memref_squeeze %dma_start3A_420 : memref<1x200x16xf32, #tpu.memory_space<vmem>> -> memref<200x16xf32, #tpu.memory_space<vmem>>
        %dma_start3A_422 = arith.constant 0 : i32
        %dma_start3A_423 = tpu.memref_slice %arg6[%add3A_415, %dma_start3A_422] : memref<128x200xi32, #tpu.memory_space<vmem>> -> memref<1x200xi32, #tpu.memory_space<vmem>>
        %dma_start3A_424 = tpu.memref_squeeze %dma_start3A_423 : memref<1x200xi32, #tpu.memory_space<vmem>> -> memref<200xi32, #tpu.memory_space<vmem>>
        %dma_start3A_425 = arith.constant 0 : i32
        %dma_start3A_426 = arith.constant 0 : i32
        %dma_start3A_427 = tpu.memref_slice %arg2[%dma_start3A_425, %dma_start3A_426] : memref<100000x16xf32, #tpu.memory_space<hbm>> -> memref<100000x16xf32, #tpu.memory_space<hbm>>
        %dma_start3A_428 = tpu.memref_slice %arg10[%dma_start3A_417] : memref<8x!tpu.dma_semaphore, #tpu.memory_space<semaphore_mem>> -> memref<1x!tpu.dma_semaphore, #tpu.memory_space<semaphore_mem>>
        %dma_start3A_429 = tpu.memref_squeeze %dma_start3A_428 : memref<1x!tpu.dma_semaphore, #tpu.memory_space<semaphore_mem>> -> memref<!tpu.dma_semaphore, #tpu.memory_space<semaphore_mem>>
        tpu.enqueue_indirect_dma source(%dma_start3A_427 : memref<100000x16xf32, #tpu.memory_space<hbm>>) target(%dma_start3A_421 : memref<200x16xf32, #tpu.memory_space<vmem>>) offsets(%dma_start3A_424 : memref<200xi32, #tpu.memory_space<vmem>>) semaphore(%dma_start3A_429 : memref<!tpu.dma_semaphore, #tpu.memory_space<semaphore_mem>>)
      } else {
      }
      %scan3A_175 = arith.constant 0 : i32
      %scan3A_176 = arith.constant 25 : i32
      %scan3A_177 = arith.addi %scan3A_175, %scan3A_176 : i32
      %scan3A_178 = arith.constant 1 : i32
      %scan3A_179 = scf.for %scan3A_414 = %scan3A_175 to %scan3A_177 step %scan3A_178 iter_args(%scan3A_415 = %get3A_2) -> (vector<16xf32>)  : i32 {
        %mul3A_416 = arith.constant 8 : i32
        %mul3A_417 = arith.muli %mul3A_416, %scan3A_414 : i32
        %add3A_418 = arith.constant 0 : i32
        %add3A_419 = arith.addi %mul3A_417, %add3A_418 : i32
        %get3A_420 = arith.constant 1 : i32
        %get3A_421 = arith.index_cast %get3A_420 : i32 to index
        %get3A_422 = arith.index_cast %add3A_419 : i32 to index
        %get3A_423 = arith.constant 0 : index
        %get3A_424 = tpu.vector_load %arg7[%get3A_421, %get3A_422, %get3A_423] {strides = array<i32>} : memref<8x200x16xf32, #tpu.memory_space<vmem>>, vector<1x1x16xf32>,
        %get3A_425 = vector.shape_cast %get3A_424 : vector<1x1x16xf32> to vector<16xf32>
        %add3A_426 = arith.constant 1 : i32
        %add3A_427 = arith.addi %mul3A_417, %add3A_426 : i32
        %get3A_428 = arith.constant 1 : i32
        %get3A_429 = arith.index_cast %get3A_428 : i32 to index
        %get3A_430 = arith.index_cast %add3A_427 : i32 to index
        %get3A_431 = arith.constant 0 : index
        %get3A_432 = tpu.vector_load %arg7[%get3A_429, %get3A_430, %get3A_431] {strides = array<i32>} : memref<8x200x16xf32, #tpu.memory_space<vmem>>, vector<1x1x16xf32>,
        %get3A_433 = vector.shape_cast %get3A_432 : vector<1x1x16xf32> to vector<16xf32>
        %add3A_434 = arith.constant 2 : i32
        %add3A_435 = arith.addi %mul3A_417, %add3A_434 : i32
        %get3A_436 = arith.constant 1 : i32
        %get3A_437 = arith.index_cast %get3A_436 : i32 to index
        %get3A_438 = arith.index_cast %add3A_435 : i32 to index
        %get3A_439 = arith.constant 0 : index
        %get3A_440 = tpu.vector_load %arg7[%get3A_437, %get3A_438, %get3A_439] {strides = array<i32>} : memref<8x200x16xf32, #tpu.memory_space<vmem>>, vector<1x1x16xf32>,
        %get3A_441 = vector.shape_cast %get3A_440 : vector<1x1x16xf32> to vector<16xf32>
        %add3A_442 = arith.constant 3 : i32
        %add3A_443 = arith.addi %mul3A_417, %add3A_442 : i32
        %get3A_444 = arith.constant 1 : i32
        %get3A_445 = arith.index_cast %get3A_444 : i32 to index
        %get3A_446 = arith.index_cast %add3A_443 : i32 to index
        %get3A_447 = arith.constant 0 : index
        %get3A_448 = tpu.vector_load %arg7[%get3A_445, %get3A_446, %get3A_447] {strides = array<i32>} : memref<8x200x16xf32, #tpu.memory_space<vmem>>, vector<1x1x16xf32>,
        %get3A_449 = vector.shape_cast %get3A_448 : vector<1x1x16xf32> to vector<16xf32>
        %add3A_450 = arith.constant 4 : i32
        %add3A_451 = arith.addi %mul3A_417, %add3A_450 : i32
        %get3A_452 = arith.constant 1 : i32
        %get3A_453 = arith.index_cast %get3A_452 : i32 to index
        %get3A_454 = arith.index_cast %add3A_451 : i32 to index
        %get3A_455 = arith.constant 0 : index
        %get3A_456 = tpu.vector_load %arg7[%get3A_453, %get3A_454, %get3A_455] {strides = array<i32>} : memref<8x200x16xf32, #tpu.memory_space<vmem>>, vector<1x1x16xf32>,
        %get3A_457 = vector.shape_cast %get3A_456 : vector<1x1x16xf32> to vector<16xf32>
        %add3A_458 = arith.constant 5 : i32
        %add3A_459 = arith.addi %mul3A_417, %add3A_458 : i32
        %get3A_460 = arith.constant 1 : i32
        %get3A_461 = arith.index_cast %get3A_460 : i32 to index
        %get3A_462 = arith.index_cast %add3A_459 : i32 to index
        %get3A_463 = arith.constant 0 : index
        %get3A_464 = tpu.vector_load %arg7[%get3A_461, %get3A_462, %get3A_463] {strides = array<i32>} : memref<8x200x16xf32, #tpu.memory_space<vmem>>, vector<1x1x16xf32>,
        %get3A_465 = vector.shape_cast %get3A_464 : vector<1x1x16xf32> to vector<16xf32>
        %add3A_466 = arith.constant 6 : i32
        %add3A_467 = arith.addi %mul3A_417, %add3A_466 : i32
        %get3A_468 = arith.constant 1 : i32
        %get3A_469 = arith.index_cast %get3A_468 : i32 to index
        %get3A_470 = arith.index_cast %add3A_467 : i32 to index
        %get3A_471 = arith.constant 0 : index
        %get3A_472 = tpu.vector_load %arg7[%get3A_469, %get3A_470, %get3A_471] {strides = array<i32>} : memref<8x200x16xf32, #tpu.memory_space<vmem>>, vector<1x1x16xf32>,
        %get3A_473 = vector.shape_cast %get3A_472 : vector<1x1x16xf32> to vector<16xf32>
        %add3A_474 = arith.constant 7 : i32
        %add3A_475 = arith.addi %mul3A_417, %add3A_474 : i32
        %get3A_476 = arith.constant 1 : i32
        %get3A_477 = arith.index_cast %get3A_476 : i32 to index
        %get3A_478 = arith.index_cast %add3A_475 : i32 to index
        %get3A_479 = arith.constant 0 : index
        %get3A_480 = tpu.vector_load %arg7[%get3A_477, %get3A_478, %get3A_479] {strides = array<i32>} : memref<8x200x16xf32, #tpu.memory_space<vmem>>, vector<1x1x16xf32>,
        %get3A_481 = vector.shape_cast %get3A_480 : vector<1x1x16xf32> to vector<16xf32>
        %add3A_482 = arith.addf %get3A_425, %get3A_433 : vector<16xf32>
        %add3A_483 = arith.addf %get3A_441, %get3A_449 : vector<16xf32>
        %add3A_484 = arith.addf %add3A_482, %add3A_483 : vector<16xf32>
        %add3A_485 = arith.addf %get3A_457, %get3A_465 : vector<16xf32>
        %add3A_486 = arith.addf %get3A_473, %get3A_481 : vector<16xf32>
        %add3A_487 = arith.addf %add3A_485, %add3A_486 : vector<16xf32>
        %add3A_488 = arith.addf %add3A_484, %add3A_487 : vector<16xf32>
        %add3A_489 = arith.addf %scan3A_415, %add3A_488 : vector<16xf32>
        scf.yield %add3A_489 : vector<16xf32>
      }
      %scan3A_180 = arith.constant 25 : i32
      %swap3A_181 = arith.constant 1 : i32
      %swap3A_182 = arith.index_cast %swap3A_181 : i32 to index
      %swap3A_183 = arith.constant 0 : index
      %swap3A_184 = tpu.vector_load %arg8[%swap3A_182, %swap3A_183] {strides = array<i32>} : memref<8x16xf32, #tpu.memory_space<vmem>>, vector<1x16xf32>,
      %swap3A_185 = vector.shape_cast %swap3A_184 : vector<1x16xf32> to vector<16xf32>
      %swap3A_186 = vector.shape_cast %scan3A_179 : vector<16xf32> to vector<1x16xf32>
      tpu.vector_store %arg8[%swap3A_182, %swap3A_183], %swap3A_186 {strides = array<i32>} : memref<8x16xf32, #tpu.memory_space<vmem>>, vector<1x16xf32>,
      %mul3A_187 = arith.constant 8 : i32
      %mul3A_188 = arith.muli %mul3A_187, %add3A_117 : i32
      %add3A_189 = arith.constant 2 : i32
      %add3A_190 = arith.addi %mul3A_188, %add3A_189 : i32
      %dma_wait3A_191 = arith.constant 2 : i32
      %dma_wait3A_192 = arith.constant 2 : i32
      %dma_wait3A_193 = arith.constant 0 : i32
      %dma_wait3A_194 = arith.constant 0 : i32
      %dma_wait3A_195 = tpu.memref_slice %arg7[%dma_wait3A_191, %dma_wait3A_193, %dma_wait3A_194] : memref<8x200x16xf32, #tpu.memory_space<vmem>> -> memref<1x200x16xf32, #tpu.memory_space<vmem>>
      %dma_wait3A_196 = tpu.memref_squeeze %dma_wait3A_195 : memref<1x200x16xf32, #tpu.memory_space<vmem>> -> memref<200x16xf32, #tpu.memory_space<vmem>>
      %dma_wait3A_197 = arith.constant 0 : i32
      %dma_wait3A_198 = tpu.memref_slice %arg6[%add3A_190, %dma_wait3A_197] : memref<128x200xi32, #tpu.memory_space<vmem>> -> memref<1x200xi32, #tpu.memory_space<vmem>>
      %dma_wait3A_199 = tpu.memref_squeeze %dma_wait3A_198 : memref<1x200xi32, #tpu.memory_space<vmem>> -> memref<200xi32, #tpu.memory_space<vmem>>
      %dma_wait3A_200 = arith.constant 0 : i32
      %dma_wait3A_201 = arith.constant 0 : i32
      %dma_wait3A_202 = tpu.memref_slice %arg2[%dma_wait3A_200, %dma_wait3A_201] : memref<100000x16xf32, #tpu.memory_space<hbm>> -> memref<100000x16xf32, #tpu.memory_space<hbm>>
      %dma_wait3A_203 = tpu.memref_slice %arg10[%dma_wait3A_192] : memref<8x!tpu.dma_semaphore, #tpu.memory_space<semaphore_mem>> -> memref<1x!tpu.dma_semaphore, #tpu.memory_space<semaphore_mem>>
      %dma_wait3A_204 = tpu.memref_squeeze %dma_wait3A_203 : memref<1x!tpu.dma_semaphore, #tpu.memory_space<semaphore_mem>> -> memref<!tpu.dma_semaphore, #tpu.memory_space<semaphore_mem>>
      tpu.wait_indirect_dma semaphore(%dma_wait3A_204 : memref<!tpu.dma_semaphore, #tpu.memory_space<semaphore_mem>>) src(%dma_wait3A_202 : memref<100000x16xf32, #tpu.memory_space<hbm>>) dst(%dma_wait3A_196 : memref<200x16xf32, #tpu.memory_space<vmem>>)
      %add3A_205 = arith.constant 7 : i32
      %add3A_206 = arith.addi %add3A_190, %add3A_205 : i32
      %lt3A_207 = arith.constant 128 : i32
      %lt3A_208 = arith.cmpi slt, %add3A_206, %lt3A_207 : i32
      %convert_element_type3A_209 = arith.extui %lt3A_208 : i1 to i32
      %cond3A_210 = arith.constant 0 : i32
      %cond3A_211 = arith.cmpi ne, %convert_element_type3A_209, %cond3A_210 : i32
      scf.if %cond3A_211 {
        %add3A_414 = arith.constant 7 : i32
        %add3A_415 = arith.addi %add3A_190, %add3A_414 : i32
        %dma_start3A_416 = arith.constant 1 : i32
        %dma_start3A_417 = arith.constant 1 : i32
        %dma_start3A_418 = arith.constant 0 : i32
        %dma_start3A_419 = arith.constant 0 : i32
        %dma_start3A_420 = tpu.memref_slice %arg7[%dma_start3A_416, %dma_start3A_418, %dma_start3A_419] : memref<8x200x16xf32, #tpu.memory_space<vmem>> -> memref<1x200x16xf32, #tpu.memory_space<vmem>>
        %dma_start3A_421 = tpu.memref_squeeze %dma_start3A_420 : memref<1x200x16xf32, #tpu.memory_space<vmem>> -> memref<200x16xf32, #tpu.memory_space<vmem>>
        %dma_start3A_422 = arith.constant 0 : i32
        %dma_start3A_423 = tpu.memref_slice %arg6[%add3A_415, %dma_start3A_422] : memref<128x200xi32, #tpu.memory_space<vmem>> -> memref<1x200xi32, #tpu.memory_space<vmem>>
        %dma_start3A_424 = tpu.memref_squeeze %dma_start3A_423 : memref<1x200xi32, #tpu.memory_space<vmem>> -> memref<200xi32, #tpu.memory_space<vmem>>
        %dma_start3A_425 = arith.constant 0 : i32
        %dma_start3A_426 = arith.constant 0 : i32
        %dma_start3A_427 = tpu.memref_slice %arg2[%dma_start3A_425, %dma_start3A_426] : memref<100000x16xf32, #tpu.memory_space<hbm>> -> memref<100000x16xf32, #tpu.memory_space<hbm>>
        %dma_start3A_428 = tpu.memref_slice %arg10[%dma_start3A_417] : memref<8x!tpu.dma_semaphore, #tpu.memory_space<semaphore_mem>> -> memref<1x!tpu.dma_semaphore, #tpu.memory_space<semaphore_mem>>
        %dma_start3A_429 = tpu.memref_squeeze %dma_start3A_428 : memref<1x!tpu.dma_semaphore, #tpu.memory_space<semaphore_mem>> -> memref<!tpu.dma_semaphore, #tpu.memory_space<semaphore_mem>>
        tpu.enqueue_indirect_dma source(%dma_start3A_427 : memref<100000x16xf32, #tpu.memory_space<hbm>>) target(%dma_start3A_421 : memref<200x16xf32, #tpu.memory_space<vmem>>) offsets(%dma_start3A_424 : memref<200xi32, #tpu.memory_space<vmem>>) semaphore(%dma_start3A_429 : memref<!tpu.dma_semaphore, #tpu.memory_space<semaphore_mem>>)
      } else {
      }
      %scan3A_212 = arith.constant 0 : i32
      %scan3A_213 = arith.constant 25 : i32
      %scan3A_214 = arith.addi %scan3A_212, %scan3A_213 : i32
      %scan3A_215 = arith.constant 1 : i32
      %scan3A_216 = scf.for %scan3A_414 = %scan3A_212 to %scan3A_214 step %scan3A_215 iter_args(%scan3A_415 = %get3A_2) -> (vector<16xf32>)  : i32 {
        %mul3A_416 = arith.constant 8 : i32
        %mul3A_417 = arith.muli %mul3A_416, %scan3A_414 : i32
        %add3A_418 = arith.constant 0 : i32
        %add3A_419 = arith.addi %mul3A_417, %add3A_418 : i32
        %get3A_420 = arith.constant 2 : i32
        %get3A_421 = arith.index_cast %get3A_420 : i32 to index
        %get3A_422 = arith.index_cast %add3A_419 : i32 to index
        %get3A_423 = arith.constant 0 : index
        %get3A_424 = tpu.vector_load %arg7[%get3A_421, %get3A_422, %get3A_423] {strides = array<i32>} : memref<8x200x16xf32, #tpu.memory_space<vmem>>, vector<1x1x16xf32>,
        %get3A_425 = vector.shape_cast %get3A_424 : vector<1x1x16xf32> to vector<16xf32>
        %add3A_426 = arith.constant 1 : i32
        %add3A_427 = arith.addi %mul3A_417, %add3A_426 : i32
        %get3A_428 = arith.constant 2 : i32
        %get3A_429 = arith.index_cast %get3A_428 : i32 to index
        %get3A_430 = arith.index_cast %add3A_427 : i32 to index
        %get3A_431 = arith.constant 0 : index
        %get3A_432 = tpu.vector_load %arg7[%get3A_429, %get3A_430, %get3A_431] {strides = array<i32>} : memref<8x200x16xf32, #tpu.memory_space<vmem>>, vector<1x1x16xf32>,
        %get3A_433 = vector.shape_cast %get3A_432 : vector<1x1x16xf32> to vector<16xf32>
        %add3A_434 = arith.constant 2 : i32
        %add3A_435 = arith.addi %mul3A_417, %add3A_434 : i32
        %get3A_436 = arith.constant 2 : i32
        %get3A_437 = arith.index_cast %get3A_436 : i32 to index
        %get3A_438 = arith.index_cast %add3A_435 : i32 to index
        %get3A_439 = arith.constant 0 : index
        %get3A_440 = tpu.vector_load %arg7[%get3A_437, %get3A_438, %get3A_439] {strides = array<i32>} : memref<8x200x16xf32, #tpu.memory_space<vmem>>, vector<1x1x16xf32>,
        %get3A_441 = vector.shape_cast %get3A_440 : vector<1x1x16xf32> to vector<16xf32>
        %add3A_442 = arith.constant 3 : i32
        %add3A_443 = arith.addi %mul3A_417, %add3A_442 : i32
        %get3A_444 = arith.constant 2 : i32
        %get3A_445 = arith.index_cast %get3A_444 : i32 to index
        %get3A_446 = arith.index_cast %add3A_443 : i32 to index
        %get3A_447 = arith.constant 0 : index
        %get3A_448 = tpu.vector_load %arg7[%get3A_445, %get3A_446, %get3A_447] {strides = array<i32>} : memref<8x200x16xf32, #tpu.memory_space<vmem>>, vector<1x1x16xf32>,
        %get3A_449 = vector.shape_cast %get3A_448 : vector<1x1x16xf32> to vector<16xf32>
        %add3A_450 = arith.constant 4 : i32
        %add3A_451 = arith.addi %mul3A_417, %add3A_450 : i32
        %get3A_452 = arith.constant 2 : i32
        %get3A_453 = arith.index_cast %get3A_452 : i32 to index
        %get3A_454 = arith.index_cast %add3A_451 : i32 to index
        %get3A_455 = arith.constant 0 : index
        %get3A_456 = tpu.vector_load %arg7[%get3A_453, %get3A_454, %get3A_455] {strides = array<i32>} : memref<8x200x16xf32, #tpu.memory_space<vmem>>, vector<1x1x16xf32>,
        %get3A_457 = vector.shape_cast %get3A_456 : vector<1x1x16xf32> to vector<16xf32>
        %add3A_458 = arith.constant 5 : i32
        %add3A_459 = arith.addi %mul3A_417, %add3A_458 : i32
        %get3A_460 = arith.constant 2 : i32
        %get3A_461 = arith.index_cast %get3A_460 : i32 to index
        %get3A_462 = arith.index_cast %add3A_459 : i32 to index
        %get3A_463 = arith.constant 0 : index
        %get3A_464 = tpu.vector_load %arg7[%get3A_461, %get3A_462, %get3A_463] {strides = array<i32>} : memref<8x200x16xf32, #tpu.memory_space<vmem>>, vector<1x1x16xf32>,
        %get3A_465 = vector.shape_cast %get3A_464 : vector<1x1x16xf32> to vector<16xf32>
        %add3A_466 = arith.constant 6 : i32
        %add3A_467 = arith.addi %mul3A_417, %add3A_466 : i32
        %get3A_468 = arith.constant 2 : i32
        %get3A_469 = arith.index_cast %get3A_468 : i32 to index
        %get3A_470 = arith.index_cast %add3A_467 : i32 to index
        %get3A_471 = arith.constant 0 : index
        %get3A_472 = tpu.vector_load %arg7[%get3A_469, %get3A_470, %get3A_471] {strides = array<i32>} : memref<8x200x16xf32, #tpu.memory_space<vmem>>, vector<1x1x16xf32>,
        %get3A_473 = vector.shape_cast %get3A_472 : vector<1x1x16xf32> to vector<16xf32>
        %add3A_474 = arith.constant 7 : i32
        %add3A_475 = arith.addi %mul3A_417, %add3A_474 : i32
        %get3A_476 = arith.constant 2 : i32
        %get3A_477 = arith.index_cast %get3A_476 : i32 to index
        %get3A_478 = arith.index_cast %add3A_475 : i32 to index
        %get3A_479 = arith.constant 0 : index
        %get3A_480 = tpu.vector_load %arg7[%get3A_477, %get3A_478, %get3A_479] {strides = array<i32>} : memref<8x200x16xf32, #tpu.memory_space<vmem>>, vector<1x1x16xf32>,
        %get3A_481 = vector.shape_cast %get3A_480 : vector<1x1x16xf32> to vector<16xf32>
        %add3A_482 = arith.addf %get3A_425, %get3A_433 : vector<16xf32>
        %add3A_483 = arith.addf %get3A_441, %get3A_449 : vector<16xf32>
        %add3A_484 = arith.addf %add3A_482, %add3A_483 : vector<16xf32>
        %add3A_485 = arith.addf %get3A_457, %get3A_465 : vector<16xf32>
        %add3A_486 = arith.addf %get3A_473, %get3A_481 : vector<16xf32>
        %add3A_487 = arith.addf %add3A_485, %add3A_486 : vector<16xf32>
        %add3A_488 = arith.addf %add3A_484, %add3A_487 : vector<16xf32>
        %add3A_489 = arith.addf %scan3A_415, %add3A_488 : vector<16xf32>
        scf.yield %add3A_489 : vector<16xf32>
      }
      %scan3A_217 = arith.constant 25 : i32
      %swap3A_218 = arith.constant 2 : i32
      %swap3A_219 = arith.index_cast %swap3A_218 : i32 to index
      %swap3A_220 = arith.constant 0 : index
      %swap3A_221 = tpu.vector_load %arg8[%swap3A_219, %swap3A_220] {strides = array<i32>} : memref<8x16xf32, #tpu.memory_space<vmem>>, vector<1x16xf32>,
      %swap3A_222 = vector.shape_cast %swap3A_221 : vector<1x16xf32> to vector<16xf32>
      %swap3A_223 = vector.shape_cast %scan3A_216 : vector<16xf32> to vector<1x16xf32>
      tpu.vector_store %arg8[%swap3A_219, %swap3A_220], %swap3A_223 {strides = array<i32>} : memref<8x16xf32, #tpu.memory_space<vmem>>, vector<1x16xf32>,
      %mul3A_224 = arith.constant 8 : i32
      %mul3A_225 = arith.muli %mul3A_224, %add3A_117 : i32
      %add3A_226 = arith.constant 3 : i32
      %add3A_227 = arith.addi %mul3A_225, %add3A_226 : i32
      %dma_wait3A_228 = arith.constant 3 : i32
      %dma_wait3A_229 = arith.constant 3 : i32
      %dma_wait3A_230 = arith.constant 0 : i32
      %dma_wait3A_231 = arith.constant 0 : i32
      %dma_wait3A_232 = tpu.memref_slice %arg7[%dma_wait3A_228, %dma_wait3A_230, %dma_wait3A_231] : memref<8x200x16xf32, #tpu.memory_space<vmem>> -> memref<1x200x16xf32, #tpu.memory_space<vmem>>
      %dma_wait3A_233 = tpu.memref_squeeze %dma_wait3A_232 : memref<1x200x16xf32, #tpu.memory_space<vmem>> -> memref<200x16xf32, #tpu.memory_space<vmem>>
      %dma_wait3A_234 = arith.constant 0 : i32
      %dma_wait3A_235 = tpu.memref_slice %arg6[%add3A_227, %dma_wait3A_234] : memref<128x200xi32, #tpu.memory_space<vmem>> -> memref<1x200xi32, #tpu.memory_space<vmem>>
      %dma_wait3A_236 = tpu.memref_squeeze %dma_wait3A_235 : memref<1x200xi32, #tpu.memory_space<vmem>> -> memref<200xi32, #tpu.memory_space<vmem>>
      %dma_wait3A_237 = arith.constant 0 : i32
      %dma_wait3A_238 = arith.constant 0 : i32
      %dma_wait3A_239 = tpu.memref_slice %arg2[%dma_wait3A_237, %dma_wait3A_238] : memref<100000x16xf32, #tpu.memory_space<hbm>> -> memref<100000x16xf32, #tpu.memory_space<hbm>>
      %dma_wait3A_240 = tpu.memref_slice %arg10[%dma_wait3A_229] : memref<8x!tpu.dma_semaphore, #tpu.memory_space<semaphore_mem>> -> memref<1x!tpu.dma_semaphore, #tpu.memory_space<semaphore_mem>>
      %dma_wait3A_241 = tpu.memref_squeeze %dma_wait3A_240 : memref<1x!tpu.dma_semaphore, #tpu.memory_space<semaphore_mem>> -> memref<!tpu.dma_semaphore, #tpu.memory_space<semaphore_mem>>
      tpu.wait_indirect_dma semaphore(%dma_wait3A_241 : memref<!tpu.dma_semaphore, #tpu.memory_space<semaphore_mem>>) src(%dma_wait3A_239 : memref<100000x16xf32, #tpu.memory_space<hbm>>) dst(%dma_wait3A_233 : memref<200x16xf32, #tpu.memory_space<vmem>>)
      %add3A_242 = arith.constant 7 : i32
      %add3A_243 = arith.addi %add3A_227, %add3A_242 : i32
      %lt3A_244 = arith.constant 128 : i32
      %lt3A_245 = arith.cmpi slt, %add3A_243, %lt3A_244 : i32
      %convert_element_type3A_246 = arith.extui %lt3A_245 : i1 to i32
      %cond3A_247 = arith.constant 0 : i32
      %cond3A_248 = arith.cmpi ne, %convert_element_type3A_246, %cond3A_247 : i32
      scf.if %cond3A_248 {
        %add3A_414 = arith.constant 7 : i32
        %add3A_415 = arith.addi %add3A_227, %add3A_414 : i32
        %dma_start3A_416 = arith.constant 2 : i32
        %dma_start3A_417 = arith.constant 2 : i32
        %dma_start3A_418 = arith.constant 0 : i32
        %dma_start3A_419 = arith.constant 0 : i32
        %dma_start3A_420 = tpu.memref_slice %arg7[%dma_start3A_416, %dma_start3A_418, %dma_start3A_419] : memref<8x200x16xf32, #tpu.memory_space<vmem>> -> memref<1x200x16xf32, #tpu.memory_space<vmem>>
        %dma_start3A_421 = tpu.memref_squeeze %dma_start3A_420 : memref<1x200x16xf32, #tpu.memory_space<vmem>> -> memref<200x16xf32, #tpu.memory_space<vmem>>
        %dma_start3A_422 = arith.constant 0 : i32
        %dma_start3A_423 = tpu.memref_slice %arg6[%add3A_415, %dma_start3A_422] : memref<128x200xi32, #tpu.memory_space<vmem>> -> memref<1x200xi32, #tpu.memory_space<vmem>>
        %dma_start3A_424 = tpu.memref_squeeze %dma_start3A_423 : memref<1x200xi32, #tpu.memory_space<vmem>> -> memref<200xi32, #tpu.memory_space<vmem>>
        %dma_start3A_425 = arith.constant 0 : i32
        %dma_start3A_426 = arith.constant 0 : i32
        %dma_start3A_427 = tpu.memref_slice %arg2[%dma_start3A_425, %dma_start3A_426] : memref<100000x16xf32, #tpu.memory_space<hbm>> -> memref<100000x16xf32, #tpu.memory_space<hbm>>
        %dma_start3A_428 = tpu.memref_slice %arg10[%dma_start3A_417] : memref<8x!tpu.dma_semaphore, #tpu.memory_space<semaphore_mem>> -> memref<1x!tpu.dma_semaphore, #tpu.memory_space<semaphore_mem>>
        %dma_start3A_429 = tpu.memref_squeeze %dma_start3A_428 : memref<1x!tpu.dma_semaphore, #tpu.memory_space<semaphore_mem>> -> memref<!tpu.dma_semaphore, #tpu.memory_space<semaphore_mem>>
        tpu.enqueue_indirect_dma source(%dma_start3A_427 : memref<100000x16xf32, #tpu.memory_space<hbm>>) target(%dma_start3A_421 : memref<200x16xf32, #tpu.memory_space<vmem>>) offsets(%dma_start3A_424 : memref<200xi32, #tpu.memory_space<vmem>>) semaphore(%dma_start3A_429 : memref<!tpu.dma_semaphore, #tpu.memory_space<semaphore_mem>>)
      } else {
      }
      %scan3A_249 = arith.constant 0 : i32
      %scan3A_250 = arith.constant 25 : i32
      %scan3A_251 = arith.addi %scan3A_249, %scan3A_250 : i32
      %scan3A_252 = arith.constant 1 : i32
      %scan3A_253 = scf.for %scan3A_414 = %scan3A_249 to %scan3A_251 step %scan3A_252 iter_args(%scan3A_415 = %get3A_2) -> (vector<16xf32>)  : i32 {
        %mul3A_416 = arith.constant 8 : i32
        %mul3A_417 = arith.muli %mul3A_416, %scan3A_414 : i32
        %add3A_418 = arith.constant 0 : i32
        %add3A_419 = arith.addi %mul3A_417, %add3A_418 : i32
        %get3A_420 = arith.constant 3 : i32
        %get3A_421 = arith.index_cast %get3A_420 : i32 to index
        %get3A_422 = arith.index_cast %add3A_419 : i32 to index
        %get3A_423 = arith.constant 0 : index
        %get3A_424 = tpu.vector_load %arg7[%get3A_421, %get3A_422, %get3A_423] {strides = array<i32>} : memref<8x200x16xf32, #tpu.memory_space<vmem>>, vector<1x1x16xf32>,
        %get3A_425 = vector.shape_cast %get3A_424 : vector<1x1x16xf32> to vector<16xf32>
        %add3A_426 = arith.constant 1 : i32
        %add3A_427 = arith.addi %mul3A_417, %add3A_426 : i32
        %get3A_428 = arith.constant 3 : i32
        %get3A_429 = arith.index_cast %get3A_428 : i32 to index
        %get3A_430 = arith.index_cast %add3A_427 : i32 to index
        %get3A_431 = arith.constant 0 : index
        %get3A_432 = tpu.vector_load %arg7[%get3A_429, %get3A_430, %get3A_431] {strides = array<i32>} : memref<8x200x16xf32, #tpu.memory_space<vmem>>, vector<1x1x16xf32>,
        %get3A_433 = vector.shape_cast %get3A_432 : vector<1x1x16xf32> to vector<16xf32>
        %add3A_434 = arith.constant 2 : i32
        %add3A_435 = arith.addi %mul3A_417, %add3A_434 : i32
        %get3A_436 = arith.constant 3 : i32
        %get3A_437 = arith.index_cast %get3A_436 : i32 to index
        %get3A_438 = arith.index_cast %add3A_435 : i32 to index
        %get3A_439 = arith.constant 0 : index
        %get3A_440 = tpu.vector_load %arg7[%get3A_437, %get3A_438, %get3A_439] {strides = array<i32>} : memref<8x200x16xf32, #tpu.memory_space<vmem>>, vector<1x1x16xf32>,
        %get3A_441 = vector.shape_cast %get3A_440 : vector<1x1x16xf32> to vector<16xf32>
        %add3A_442 = arith.constant 3 : i32
        %add3A_443 = arith.addi %mul3A_417, %add3A_442 : i32
        %get3A_444 = arith.constant 3 : i32
        %get3A_445 = arith.index_cast %get3A_444 : i32 to index
        %get3A_446 = arith.index_cast %add3A_443 : i32 to index
        %get3A_447 = arith.constant 0 : index
        %get3A_448 = tpu.vector_load %arg7[%get3A_445, %get3A_446, %get3A_447] {strides = array<i32>} : memref<8x200x16xf32, #tpu.memory_space<vmem>>, vector<1x1x16xf32>,
        %get3A_449 = vector.shape_cast %get3A_448 : vector<1x1x16xf32> to vector<16xf32>
        %add3A_450 = arith.constant 4 : i32
        %add3A_451 = arith.addi %mul3A_417, %add3A_450 : i32
        %get3A_452 = arith.constant 3 : i32
        %get3A_453 = arith.index_cast %get3A_452 : i32 to index
        %get3A_454 = arith.index_cast %add3A_451 : i32 to index
        %get3A_455 = arith.constant 0 : index
        %get3A_456 = tpu.vector_load %arg7[%get3A_453, %get3A_454, %get3A_455] {strides = array<i32>} : memref<8x200x16xf32, #tpu.memory_space<vmem>>, vector<1x1x16xf32>,
        %get3A_457 = vector.shape_cast %get3A_456 : vector<1x1x16xf32> to vector<16xf32>
        %add3A_458 = arith.constant 5 : i32
        %add3A_459 = arith.addi %mul3A_417, %add3A_458 : i32
        %get3A_460 = arith.constant 3 : i32
        %get3A_461 = arith.index_cast %get3A_460 : i32 to index
        %get3A_462 = arith.index_cast %add3A_459 : i32 to index
        %get3A_463 = arith.constant 0 : index
        %get3A_464 = tpu.vector_load %arg7[%get3A_461, %get3A_462, %get3A_463] {strides = array<i32>} : memref<8x200x16xf32, #tpu.memory_space<vmem>>, vector<1x1x16xf32>,
        %get3A_465 = vector.shape_cast %get3A_464 : vector<1x1x16xf32> to vector<16xf32>
        %add3A_466 = arith.constant 6 : i32
        %add3A_467 = arith.addi %mul3A_417, %add3A_466 : i32
        %get3A_468 = arith.constant 3 : i32
        %get3A_469 = arith.index_cast %get3A_468 : i32 to index
        %get3A_470 = arith.index_cast %add3A_467 : i32 to index
        %get3A_471 = arith.constant 0 : index
        %get3A_472 = tpu.vector_load %arg7[%get3A_469, %get3A_470, %get3A_471] {strides = array<i32>} : memref<8x200x16xf32, #tpu.memory_space<vmem>>, vector<1x1x16xf32>,
        %get3A_473 = vector.shape_cast %get3A_472 : vector<1x1x16xf32> to vector<16xf32>
        %add3A_474 = arith.constant 7 : i32
        %add3A_475 = arith.addi %mul3A_417, %add3A_474 : i32
        %get3A_476 = arith.constant 3 : i32
        %get3A_477 = arith.index_cast %get3A_476 : i32 to index
        %get3A_478 = arith.index_cast %add3A_475 : i32 to index
        %get3A_479 = arith.constant 0 : index
        %get3A_480 = tpu.vector_load %arg7[%get3A_477, %get3A_478, %get3A_479] {strides = array<i32>} : memref<8x200x16xf32, #tpu.memory_space<vmem>>, vector<1x1x16xf32>,
        %get3A_481 = vector.shape_cast %get3A_480 : vector<1x1x16xf32> to vector<16xf32>
        %add3A_482 = arith.addf %get3A_425, %get3A_433 : vector<16xf32>
        %add3A_483 = arith.addf %get3A_441, %get3A_449 : vector<16xf32>
        %add3A_484 = arith.addf %add3A_482, %add3A_483 : vector<16xf32>
        %add3A_485 = arith.addf %get3A_457, %get3A_465 : vector<16xf32>
        %add3A_486 = arith.addf %get3A_473, %get3A_481 : vector<16xf32>
        %add3A_487 = arith.addf %add3A_485, %add3A_486 : vector<16xf32>
        %add3A_488 = arith.addf %add3A_484, %add3A_487 : vector<16xf32>
        %add3A_489 = arith.addf %scan3A_415, %add3A_488 : vector<16xf32>
        scf.yield %add3A_489 : vector<16xf32>
      }
      %scan3A_254 = arith.constant 25 : i32
      %swap3A_255 = arith.constant 3 : i32
      %swap3A_256 = arith.index_cast %swap3A_255 : i32 to index
      %swap3A_257 = arith.constant 0 : index
      %swap3A_258 = tpu.vector_load %arg8[%swap3A_256, %swap3A_257] {strides = array<i32>} : memref<8x16xf32, #tpu.memory_space<vmem>>, vector<1x16xf32>,
      %swap3A_259 = vector.shape_cast %swap3A_258 : vector<1x16xf32> to vector<16xf32>
      %swap3A_260 = vector.shape_cast %scan3A_253 : vector<16xf32> to vector<1x16xf32>
      tpu.vector_store %arg8[%swap3A_256, %swap3A_257], %swap3A_260 {strides = array<i32>} : memref<8x16xf32, #tpu.memory_space<vmem>>, vector<1x16xf32>,
      %mul3A_261 = arith.constant 8 : i32
      %mul3A_262 = arith.muli %mul3A_261, %add3A_117 : i32
      %add3A_263 = arith.constant 4 : i32
      %add3A_264 = arith.addi %mul3A_262, %add3A_263 : i32
      %dma_wait3A_265 = arith.constant 4 : i32
      %dma_wait3A_266 = arith.constant 4 : i32
      %dma_wait3A_267 = arith.constant 0 : i32
      %dma_wait3A_268 = arith.constant 0 : i32
      %dma_wait3A_269 = tpu.memref_slice %arg7[%dma_wait3A_265, %dma_wait3A_267, %dma_wait3A_268] : memref<8x200x16xf32, #tpu.memory_space<vmem>> -> memref<1x200x16xf32, #tpu.memory_space<vmem>>
      %dma_wait3A_270 = tpu.memref_squeeze %dma_wait3A_269 : memref<1x200x16xf32, #tpu.memory_space<vmem>> -> memref<200x16xf32, #tpu.memory_space<vmem>>
      %dma_wait3A_271 = arith.constant 0 : i32
      %dma_wait3A_272 = tpu.memref_slice %arg6[%add3A_264, %dma_wait3A_271] : memref<128x200xi32, #tpu.memory_space<vmem>> -> memref<1x200xi32, #tpu.memory_space<vmem>>
      %dma_wait3A_273 = tpu.memref_squeeze %dma_wait3A_272 : memref<1x200xi32, #tpu.memory_space<vmem>> -> memref<200xi32, #tpu.memory_space<vmem>>
      %dma_wait3A_274 = arith.constant 0 : i32
      %dma_wait3A_275 = arith.constant 0 : i32
      %dma_wait3A_276 = tpu.memref_slice %arg2[%dma_wait3A_274, %dma_wait3A_275] : memref<100000x16xf32, #tpu.memory_space<hbm>> -> memref<100000x16xf32, #tpu.memory_space<hbm>>
      %dma_wait3A_277 = tpu.memref_slice %arg10[%dma_wait3A_266] : memref<8x!tpu.dma_semaphore, #tpu.memory_space<semaphore_mem>> -> memref<1x!tpu.dma_semaphore, #tpu.memory_space<semaphore_mem>>
      %dma_wait3A_278 = tpu.memref_squeeze %dma_wait3A_277 : memref<1x!tpu.dma_semaphore, #tpu.memory_space<semaphore_mem>> -> memref<!tpu.dma_semaphore, #tpu.memory_space<semaphore_mem>>
      tpu.wait_indirect_dma semaphore(%dma_wait3A_278 : memref<!tpu.dma_semaphore, #tpu.memory_space<semaphore_mem>>) src(%dma_wait3A_276 : memref<100000x16xf32, #tpu.memory_space<hbm>>) dst(%dma_wait3A_270 : memref<200x16xf32, #tpu.memory_space<vmem>>)
      %add3A_279 = arith.constant 7 : i32
      %add3A_280 = arith.addi %add3A_264, %add3A_279 : i32
      %lt3A_281 = arith.constant 128 : i32
      %lt3A_282 = arith.cmpi slt, %add3A_280, %lt3A_281 : i32
      %convert_element_type3A_283 = arith.extui %lt3A_282 : i1 to i32
      %cond3A_284 = arith.constant 0 : i32
      %cond3A_285 = arith.cmpi ne, %convert_element_type3A_283, %cond3A_284 : i32
      scf.if %cond3A_285 {
        %add3A_414 = arith.constant 7 : i32
        %add3A_415 = arith.addi %add3A_264, %add3A_414 : i32
        %dma_start3A_416 = arith.constant 3 : i32
        %dma_start3A_417 = arith.constant 3 : i32
        %dma_start3A_418 = arith.constant 0 : i32
        %dma_start3A_419 = arith.constant 0 : i32
        %dma_start3A_420 = tpu.memref_slice %arg7[%dma_start3A_416, %dma_start3A_418, %dma_start3A_419] : memref<8x200x16xf32, #tpu.memory_space<vmem>> -> memref<1x200x16xf32, #tpu.memory_space<vmem>>
        %dma_start3A_421 = tpu.memref_squeeze %dma_start3A_420 : memref<1x200x16xf32, #tpu.memory_space<vmem>> -> memref<200x16xf32, #tpu.memory_space<vmem>>
        %dma_start3A_422 = arith.constant 0 : i32
        %dma_start3A_423 = tpu.memref_slice %arg6[%add3A_415, %dma_start3A_422] : memref<128x200xi32, #tpu.memory_space<vmem>> -> memref<1x200xi32, #tpu.memory_space<vmem>>
        %dma_start3A_424 = tpu.memref_squeeze %dma_start3A_423 : memref<1x200xi32, #tpu.memory_space<vmem>> -> memref<200xi32, #tpu.memory_space<vmem>>
        %dma_start3A_425 = arith.constant 0 : i32
        %dma_start3A_426 = arith.constant 0 : i32
        %dma_start3A_427 = tpu.memref_slice %arg2[%dma_start3A_425, %dma_start3A_426] : memref<100000x16xf32, #tpu.memory_space<hbm>> -> memref<100000x16xf32, #tpu.memory_space<hbm>>
        %dma_start3A_428 = tpu.memref_slice %arg10[%dma_start3A_417] : memref<8x!tpu.dma_semaphore, #tpu.memory_space<semaphore_mem>> -> memref<1x!tpu.dma_semaphore, #tpu.memory_space<semaphore_mem>>
        %dma_start3A_429 = tpu.memref_squeeze %dma_start3A_428 : memref<1x!tpu.dma_semaphore, #tpu.memory_space<semaphore_mem>> -> memref<!tpu.dma_semaphore, #tpu.memory_space<semaphore_mem>>
        tpu.enqueue_indirect_dma source(%dma_start3A_427 : memref<100000x16xf32, #tpu.memory_space<hbm>>) target(%dma_start3A_421 : memref<200x16xf32, #tpu.memory_space<vmem>>) offsets(%dma_start3A_424 : memref<200xi32, #tpu.memory_space<vmem>>) semaphore(%dma_start3A_429 : memref<!tpu.dma_semaphore, #tpu.memory_space<semaphore_mem>>)
      } else {
      }
      %scan3A_286 = arith.constant 0 : i32
      %scan3A_287 = arith.constant 25 : i32
      %scan3A_288 = arith.addi %scan3A_286, %scan3A_287 : i32
      %scan3A_289 = arith.constant 1 : i32
      %scan3A_290 = scf.for %scan3A_414 = %scan3A_286 to %scan3A_288 step %scan3A_289 iter_args(%scan3A_415 = %get3A_2) -> (vector<16xf32>)  : i32 {
        %mul3A_416 = arith.constant 8 : i32
        %mul3A_417 = arith.muli %mul3A_416, %scan3A_414 : i32
        %add3A_418 = arith.constant 0 : i32
        %add3A_419 = arith.addi %mul3A_417, %add3A_418 : i32
        %get3A_420 = arith.constant 4 : i32
        %get3A_421 = arith.index_cast %get3A_420 : i32 to index
        %get3A_422 = arith.index_cast %add3A_419 : i32 to index
        %get3A_423 = arith.constant 0 : index
        %get3A_424 = tpu.vector_load %arg7[%get3A_421, %get3A_422, %get3A_423] {strides = array<i32>} : memref<8x200x16xf32, #tpu.memory_space<vmem>>, vector<1x1x16xf32>,
        %get3A_425 = vector.shape_cast %get3A_424 : vector<1x1x16xf32> to vector<16xf32>
        %add3A_426 = arith.constant 1 : i32
        %add3A_427 = arith.addi %mul3A_417, %add3A_426 : i32
        %get3A_428 = arith.constant 4 : i32
        %get3A_429 = arith.index_cast %get3A_428 : i32 to index
        %get3A_430 = arith.index_cast %add3A_427 : i32 to index
        %get3A_431 = arith.constant 0 : index
        %get3A_432 = tpu.vector_load %arg7[%get3A_429, %get3A_430, %get3A_431] {strides = array<i32>} : memref<8x200x16xf32, #tpu.memory_space<vmem>>, vector<1x1x16xf32>,
        %get3A_433 = vector.shape_cast %get3A_432 : vector<1x1x16xf32> to vector<16xf32>
        %add3A_434 = arith.constant 2 : i32
        %add3A_435 = arith.addi %mul3A_417, %add3A_434 : i32
        %get3A_436 = arith.constant 4 : i32
        %get3A_437 = arith.index_cast %get3A_436 : i32 to index
        %get3A_438 = arith.index_cast %add3A_435 : i32 to index
        %get3A_439 = arith.constant 0 : index
        %get3A_440 = tpu.vector_load %arg7[%get3A_437, %get3A_438, %get3A_439] {strides = array<i32>} : memref<8x200x16xf32, #tpu.memory_space<vmem>>, vector<1x1x16xf32>,
        %get3A_441 = vector.shape_cast %get3A_440 : vector<1x1x16xf32> to vector<16xf32>
        %add3A_442 = arith.constant 3 : i32
        %add3A_443 = arith.addi %mul3A_417, %add3A_442 : i32
        %get3A_444 = arith.constant 4 : i32
        %get3A_445 = arith.index_cast %get3A_444 : i32 to index
        %get3A_446 = arith.index_cast %add3A_443 : i32 to index
        %get3A_447 = arith.constant 0 : index
        %get3A_448 = tpu.vector_load %arg7[%get3A_445, %get3A_446, %get3A_447] {strides = array<i32>} : memref<8x200x16xf32, #tpu.memory_space<vmem>>, vector<1x1x16xf32>,
        %get3A_449 = vector.shape_cast %get3A_448 : vector<1x1x16xf32> to vector<16xf32>
        %add3A_450 = arith.constant 4 : i32
        %add3A_451 = arith.addi %mul3A_417, %add3A_450 : i32
        %get3A_452 = arith.constant 4 : i32
        %get3A_453 = arith.index_cast %get3A_452 : i32 to index
        %get3A_454 = arith.index_cast %add3A_451 : i32 to index
        %get3A_455 = arith.constant 0 : index
        %get3A_456 = tpu.vector_load %arg7[%get3A_453, %get3A_454, %get3A_455] {strides = array<i32>} : memref<8x200x16xf32, #tpu.memory_space<vmem>>, vector<1x1x16xf32>,
        %get3A_457 = vector.shape_cast %get3A_456 : vector<1x1x16xf32> to vector<16xf32>
        %add3A_458 = arith.constant 5 : i32
        %add3A_459 = arith.addi %mul3A_417, %add3A_458 : i32
        %get3A_460 = arith.constant 4 : i32
        %get3A_461 = arith.index_cast %get3A_460 : i32 to index
        %get3A_462 = arith.index_cast %add3A_459 : i32 to index
        %get3A_463 = arith.constant 0 : index
        %get3A_464 = tpu.vector_load %arg7[%get3A_461, %get3A_462, %get3A_463] {strides = array<i32>} : memref<8x200x16xf32, #tpu.memory_space<vmem>>, vector<1x1x16xf32>,
        %get3A_465 = vector.shape_cast %get3A_464 : vector<1x1x16xf32> to vector<16xf32>
        %add3A_466 = arith.constant 6 : i32
        %add3A_467 = arith.addi %mul3A_417, %add3A_466 : i32
        %get3A_468 = arith.constant 4 : i32
        %get3A_469 = arith.index_cast %get3A_468 : i32 to index
        %get3A_470 = arith.index_cast %add3A_467 : i32 to index
        %get3A_471 = arith.constant 0 : index
        %get3A_472 = tpu.vector_load %arg7[%get3A_469, %get3A_470, %get3A_471] {strides = array<i32>} : memref<8x200x16xf32, #tpu.memory_space<vmem>>, vector<1x1x16xf32>,
        %get3A_473 = vector.shape_cast %get3A_472 : vector<1x1x16xf32> to vector<16xf32>
        %add3A_474 = arith.constant 7 : i32
        %add3A_475 = arith.addi %mul3A_417, %add3A_474 : i32
        %get3A_476 = arith.constant 4 : i32
        %get3A_477 = arith.index_cast %get3A_476 : i32 to index
        %get3A_478 = arith.index_cast %add3A_475 : i32 to index
        %get3A_479 = arith.constant 0 : index
        %get3A_480 = tpu.vector_load %arg7[%get3A_477, %get3A_478, %get3A_479] {strides = array<i32>} : memref<8x200x16xf32, #tpu.memory_space<vmem>>, vector<1x1x16xf32>,
        %get3A_481 = vector.shape_cast %get3A_480 : vector<1x1x16xf32> to vector<16xf32>
        %add3A_482 = arith.addf %get3A_425, %get3A_433 : vector<16xf32>
        %add3A_483 = arith.addf %get3A_441, %get3A_449 : vector<16xf32>
        %add3A_484 = arith.addf %add3A_482, %add3A_483 : vector<16xf32>
        %add3A_485 = arith.addf %get3A_457, %get3A_465 : vector<16xf32>
        %add3A_486 = arith.addf %get3A_473, %get3A_481 : vector<16xf32>
        %add3A_487 = arith.addf %add3A_485, %add3A_486 : vector<16xf32>
        %add3A_488 = arith.addf %add3A_484, %add3A_487 : vector<16xf32>
        %add3A_489 = arith.addf %scan3A_415, %add3A_488 : vector<16xf32>
        scf.yield %add3A_489 : vector<16xf32>
      }
      %scan3A_291 = arith.constant 25 : i32
      %swap3A_292 = arith.constant 4 : i32
      %swap3A_293 = arith.index_cast %swap3A_292 : i32 to index
      %swap3A_294 = arith.constant 0 : index
      %swap3A_295 = tpu.vector_load %arg8[%swap3A_293, %swap3A_294] {strides = array<i32>} : memref<8x16xf32, #tpu.memory_space<vmem>>, vector<1x16xf32>,
      %swap3A_296 = vector.shape_cast %swap3A_295 : vector<1x16xf32> to vector<16xf32>
      %swap3A_297 = vector.shape_cast %scan3A_290 : vector<16xf32> to vector<1x16xf32>
      tpu.vector_store %arg8[%swap3A_293, %swap3A_294], %swap3A_297 {strides = array<i32>} : memref<8x16xf32, #tpu.memory_space<vmem>>, vector<1x16xf32>,
      %mul3A_298 = arith.constant 8 : i32
      %mul3A_299 = arith.muli %mul3A_298, %add3A_117 : i32
      %add3A_300 = arith.constant 5 : i32
      %add3A_301 = arith.addi %mul3A_299, %add3A_300 : i32
      %dma_wait3A_302 = arith.constant 5 : i32
      %dma_wait3A_303 = arith.constant 5 : i32
      %dma_wait3A_304 = arith.constant 0 : i32
      %dma_wait3A_305 = arith.constant 0 : i32
      %dma_wait3A_306 = tpu.memref_slice %arg7[%dma_wait3A_302, %dma_wait3A_304, %dma_wait3A_305] : memref<8x200x16xf32, #tpu.memory_space<vmem>> -> memref<1x200x16xf32, #tpu.memory_space<vmem>>
      %dma_wait3A_307 = tpu.memref_squeeze %dma_wait3A_306 : memref<1x200x16xf32, #tpu.memory_space<vmem>> -> memref<200x16xf32, #tpu.memory_space<vmem>>
      %dma_wait3A_308 = arith.constant 0 : i32
      %dma_wait3A_309 = tpu.memref_slice %arg6[%add3A_301, %dma_wait3A_308] : memref<128x200xi32, #tpu.memory_space<vmem>> -> memref<1x200xi32, #tpu.memory_space<vmem>>
      %dma_wait3A_310 = tpu.memref_squeeze %dma_wait3A_309 : memref<1x200xi32, #tpu.memory_space<vmem>> -> memref<200xi32, #tpu.memory_space<vmem>>
      %dma_wait3A_311 = arith.constant 0 : i32
      %dma_wait3A_312 = arith.constant 0 : i32
      %dma_wait3A_313 = tpu.memref_slice %arg2[%dma_wait3A_311, %dma_wait3A_312] : memref<100000x16xf32, #tpu.memory_space<hbm>> -> memref<100000x16xf32, #tpu.memory_space<hbm>>
      %dma_wait3A_314 = tpu.memref_slice %arg10[%dma_wait3A_303] : memref<8x!tpu.dma_semaphore, #tpu.memory_space<semaphore_mem>> -> memref<1x!tpu.dma_semaphore, #tpu.memory_space<semaphore_mem>>
      %dma_wait3A_315 = tpu.memref_squeeze %dma_wait3A_314 : memref<1x!tpu.dma_semaphore, #tpu.memory_space<semaphore_mem>> -> memref<!tpu.dma_semaphore, #tpu.memory_space<semaphore_mem>>
      tpu.wait_indirect_dma semaphore(%dma_wait3A_315 : memref<!tpu.dma_semaphore, #tpu.memory_space<semaphore_mem>>) src(%dma_wait3A_313 : memref<100000x16xf32, #tpu.memory_space<hbm>>) dst(%dma_wait3A_307 : memref<200x16xf32, #tpu.memory_space<vmem>>)
      %add3A_316 = arith.constant 7 : i32
      %add3A_317 = arith.addi %add3A_301, %add3A_316 : i32
      %lt3A_318 = arith.constant 128 : i32
      %lt3A_319 = arith.cmpi slt, %add3A_317, %lt3A_318 : i32
      %convert_element_type3A_320 = arith.extui %lt3A_319 : i1 to i32
      %cond3A_321 = arith.constant 0 : i32
      %cond3A_322 = arith.cmpi ne, %convert_element_type3A_320, %cond3A_321 : i32
      scf.if %cond3A_322 {
        %add3A_414 = arith.constant 7 : i32
        %add3A_415 = arith.addi %add3A_301, %add3A_414 : i32
        %dma_start3A_416 = arith.constant 4 : i32
        %dma_start3A_417 = arith.constant 4 : i32
        %dma_start3A_418 = arith.constant 0 : i32
        %dma_start3A_419 = arith.constant 0 : i32
        %dma_start3A_420 = tpu.memref_slice %arg7[%dma_start3A_416, %dma_start3A_418, %dma_start3A_419] : memref<8x200x16xf32, #tpu.memory_space<vmem>> -> memref<1x200x16xf32, #tpu.memory_space<vmem>>
        %dma_start3A_421 = tpu.memref_squeeze %dma_start3A_420 : memref<1x200x16xf32, #tpu.memory_space<vmem>> -> memref<200x16xf32, #tpu.memory_space<vmem>>
        %dma_start3A_422 = arith.constant 0 : i32
        %dma_start3A_423 = tpu.memref_slice %arg6[%add3A_415, %dma_start3A_422] : memref<128x200xi32, #tpu.memory_space<vmem>> -> memref<1x200xi32, #tpu.memory_space<vmem>>
        %dma_start3A_424 = tpu.memref_squeeze %dma_start3A_423 : memref<1x200xi32, #tpu.memory_space<vmem>> -> memref<200xi32, #tpu.memory_space<vmem>>
        %dma_start3A_425 = arith.constant 0 : i32
        %dma_start3A_426 = arith.constant 0 : i32
        %dma_start3A_427 = tpu.memref_slice %arg2[%dma_start3A_425, %dma_start3A_426] : memref<100000x16xf32, #tpu.memory_space<hbm>> -> memref<100000x16xf32, #tpu.memory_space<hbm>>
        %dma_start3A_428 = tpu.memref_slice %arg10[%dma_start3A_417] : memref<8x!tpu.dma_semaphore, #tpu.memory_space<semaphore_mem>> -> memref<1x!tpu.dma_semaphore, #tpu.memory_space<semaphore_mem>>
        %dma_start3A_429 = tpu.memref_squeeze %dma_start3A_428 : memref<1x!tpu.dma_semaphore, #tpu.memory_space<semaphore_mem>> -> memref<!tpu.dma_semaphore, #tpu.memory_space<semaphore_mem>>
        tpu.enqueue_indirect_dma source(%dma_start3A_427 : memref<100000x16xf32, #tpu.memory_space<hbm>>) target(%dma_start3A_421 : memref<200x16xf32, #tpu.memory_space<vmem>>) offsets(%dma_start3A_424 : memref<200xi32, #tpu.memory_space<vmem>>) semaphore(%dma_start3A_429 : memref<!tpu.dma_semaphore, #tpu.memory_space<semaphore_mem>>)
      } else {
      }
      %scan3A_323 = arith.constant 0 : i32
      %scan3A_324 = arith.constant 25 : i32
      %scan3A_325 = arith.addi %scan3A_323, %scan3A_324 : i32
      %scan3A_326 = arith.constant 1 : i32
      %scan3A_327 = scf.for %scan3A_414 = %scan3A_323 to %scan3A_325 step %scan3A_326 iter_args(%scan3A_415 = %get3A_2) -> (vector<16xf32>)  : i32 {
        %mul3A_416 = arith.constant 8 : i32
        %mul3A_417 = arith.muli %mul3A_416, %scan3A_414 : i32
        %add3A_418 = arith.constant 0 : i32
        %add3A_419 = arith.addi %mul3A_417, %add3A_418 : i32
        %get3A_420 = arith.constant 5 : i32
        %get3A_421 = arith.index_cast %get3A_420 : i32 to index
        %get3A_422 = arith.index_cast %add3A_419 : i32 to index
        %get3A_423 = arith.constant 0 : index
        %get3A_424 = tpu.vector_load %arg7[%get3A_421, %get3A_422, %get3A_423] {strides = array<i32>} : memref<8x200x16xf32, #tpu.memory_space<vmem>>, vector<1x1x16xf32>,
        %get3A_425 = vector.shape_cast %get3A_424 : vector<1x1x16xf32> to vector<16xf32>
        %add3A_426 = arith.constant 1 : i32
        %add3A_427 = arith.addi %mul3A_417, %add3A_426 : i32
        %get3A_428 = arith.constant 5 : i32
        %get3A_429 = arith.index_cast %get3A_428 : i32 to index
        %get3A_430 = arith.index_cast %add3A_427 : i32 to index
        %get3A_431 = arith.constant 0 : index
        %get3A_432 = tpu.vector_load %arg7[%get3A_429, %get3A_430, %get3A_431] {strides = array<i32>} : memref<8x200x16xf32, #tpu.memory_space<vmem>>, vector<1x1x16xf32>,
        %get3A_433 = vector.shape_cast %get3A_432 : vector<1x1x16xf32> to vector<16xf32>
        %add3A_434 = arith.constant 2 : i32
        %add3A_435 = arith.addi %mul3A_417, %add3A_434 : i32
        %get3A_436 = arith.constant 5 : i32
        %get3A_437 = arith.index_cast %get3A_436 : i32 to index
        %get3A_438 = arith.index_cast %add3A_435 : i32 to index
        %get3A_439 = arith.constant 0 : index
        %get3A_440 = tpu.vector_load %arg7[%get3A_437, %get3A_438, %get3A_439] {strides = array<i32>} : memref<8x200x16xf32, #tpu.memory_space<vmem>>, vector<1x1x16xf32>,
        %get3A_441 = vector.shape_cast %get3A_440 : vector<1x1x16xf32> to vector<16xf32>
        %add3A_442 = arith.constant 3 : i32
        %add3A_443 = arith.addi %mul3A_417, %add3A_442 : i32
        %get3A_444 = arith.constant 5 : i32
        %get3A_445 = arith.index_cast %get3A_444 : i32 to index
        %get3A_446 = arith.index_cast %add3A_443 : i32 to index
        %get3A_447 = arith.constant 0 : index
        %get3A_448 = tpu.vector_load %arg7[%get3A_445, %get3A_446, %get3A_447] {strides = array<i32>} : memref<8x200x16xf32, #tpu.memory_space<vmem>>, vector<1x1x16xf32>,
        %get3A_449 = vector.shape_cast %get3A_448 : vector<1x1x16xf32> to vector<16xf32>
        %add3A_450 = arith.constant 4 : i32
        %add3A_451 = arith.addi %mul3A_417, %add3A_450 : i32
        %get3A_452 = arith.constant 5 : i32
        %get3A_453 = arith.index_cast %get3A_452 : i32 to index
        %get3A_454 = arith.index_cast %add3A_451 : i32 to index
        %get3A_455 = arith.constant 0 : index
        %get3A_456 = tpu.vector_load %arg7[%get3A_453, %get3A_454, %get3A_455] {strides = array<i32>} : memref<8x200x16xf32, #tpu.memory_space<vmem>>, vector<1x1x16xf32>,
        %get3A_457 = vector.shape_cast %get3A_456 : vector<1x1x16xf32> to vector<16xf32>
        %add3A_458 = arith.constant 5 : i32
        %add3A_459 = arith.addi %mul3A_417, %add3A_458 : i32
        %get3A_460 = arith.constant 5 : i32
        %get3A_461 = arith.index_cast %get3A_460 : i32 to index
        %get3A_462 = arith.index_cast %add3A_459 : i32 to index
        %get3A_463 = arith.constant 0 : index
        %get3A_464 = tpu.vector_load %arg7[%get3A_461, %get3A_462, %get3A_463] {strides = array<i32>} : memref<8x200x16xf32, #tpu.memory_space<vmem>>, vector<1x1x16xf32>,
        %get3A_465 = vector.shape_cast %get3A_464 : vector<1x1x16xf32> to vector<16xf32>
        %add3A_466 = arith.constant 6 : i32
        %add3A_467 = arith.addi %mul3A_417, %add3A_466 : i32
        %get3A_468 = arith.constant 5 : i32
        %get3A_469 = arith.index_cast %get3A_468 : i32 to index
        %get3A_470 = arith.index_cast %add3A_467 : i32 to index
        %get3A_471 = arith.constant 0 : index
        %get3A_472 = tpu.vector_load %arg7[%get3A_469, %get3A_470, %get3A_471] {strides = array<i32>} : memref<8x200x16xf32, #tpu.memory_space<vmem>>, vector<1x1x16xf32>,
        %get3A_473 = vector.shape_cast %get3A_472 : vector<1x1x16xf32> to vector<16xf32>
        %add3A_474 = arith.constant 7 : i32
        %add3A_475 = arith.addi %mul3A_417, %add3A_474 : i32
        %get3A_476 = arith.constant 5 : i32
        %get3A_477 = arith.index_cast %get3A_476 : i32 to index
        %get3A_478 = arith.index_cast %add3A_475 : i32 to index
        %get3A_479 = arith.constant 0 : index
        %get3A_480 = tpu.vector_load %arg7[%get3A_477, %get3A_478, %get3A_479] {strides = array<i32>} : memref<8x200x16xf32, #tpu.memory_space<vmem>>, vector<1x1x16xf32>,
        %get3A_481 = vector.shape_cast %get3A_480 : vector<1x1x16xf32> to vector<16xf32>
        %add3A_482 = arith.addf %get3A_425, %get3A_433 : vector<16xf32>
        %add3A_483 = arith.addf %get3A_441, %get3A_449 : vector<16xf32>
        %add3A_484 = arith.addf %add3A_482, %add3A_483 : vector<16xf32>
        %add3A_485 = arith.addf %get3A_457, %get3A_465 : vector<16xf32>
        %add3A_486 = arith.addf %get3A_473, %get3A_481 : vector<16xf32>
        %add3A_487 = arith.addf %add3A_485, %add3A_486 : vector<16xf32>
        %add3A_488 = arith.addf %add3A_484, %add3A_487 : vector<16xf32>
        %add3A_489 = arith.addf %scan3A_415, %add3A_488 : vector<16xf32>
        scf.yield %add3A_489 : vector<16xf32>
      }
      %scan3A_328 = arith.constant 25 : i32
      %swap3A_329 = arith.constant 5 : i32
      %swap3A_330 = arith.index_cast %swap3A_329 : i32 to index
      %swap3A_331 = arith.constant 0 : index
      %swap3A_332 = tpu.vector_load %arg8[%swap3A_330, %swap3A_331] {strides = array<i32>} : memref<8x16xf32, #tpu.memory_space<vmem>>, vector<1x16xf32>,
      %swap3A_333 = vector.shape_cast %swap3A_332 : vector<1x16xf32> to vector<16xf32>
      %swap3A_334 = vector.shape_cast %scan3A_327 : vector<16xf32> to vector<1x16xf32>
      tpu.vector_store %arg8[%swap3A_330, %swap3A_331], %swap3A_334 {strides = array<i32>} : memref<8x16xf32, #tpu.memory_space<vmem>>, vector<1x16xf32>,
      %mul3A_335 = arith.constant 8 : i32
      %mul3A_336 = arith.muli %mul3A_335, %add3A_117 : i32
      %add3A_337 = arith.constant 6 : i32
      %add3A_338 = arith.addi %mul3A_336, %add3A_337 : i32
      %dma_wait3A_339 = arith.constant 6 : i32
      %dma_wait3A_340 = arith.constant 6 : i32
      %dma_wait3A_341 = arith.constant 0 : i32
      %dma_wait3A_342 = arith.constant 0 : i32
      %dma_wait3A_343 = tpu.memref_slice %arg7[%dma_wait3A_339, %dma_wait3A_341, %dma_wait3A_342] : memref<8x200x16xf32, #tpu.memory_space<vmem>> -> memref<1x200x16xf32, #tpu.memory_space<vmem>>
      %dma_wait3A_344 = tpu.memref_squeeze %dma_wait3A_343 : memref<1x200x16xf32, #tpu.memory_space<vmem>> -> memref<200x16xf32, #tpu.memory_space<vmem>>
      %dma_wait3A_345 = arith.constant 0 : i32
      %dma_wait3A_346 = tpu.memref_slice %arg6[%add3A_338, %dma_wait3A_345] : memref<128x200xi32, #tpu.memory_space<vmem>> -> memref<1x200xi32, #tpu.memory_space<vmem>>
      %dma_wait3A_347 = tpu.memref_squeeze %dma_wait3A_346 : memref<1x200xi32, #tpu.memory_space<vmem>> -> memref<200xi32, #tpu.memory_space<vmem>>
      %dma_wait3A_348 = arith.constant 0 : i32
      %dma_wait3A_349 = arith.constant 0 : i32
      %dma_wait3A_350 = tpu.memref_slice %arg2[%dma_wait3A_348, %dma_wait3A_349] : memref<100000x16xf32, #tpu.memory_space<hbm>> -> memref<100000x16xf32, #tpu.memory_space<hbm>>
      %dma_wait3A_351 = tpu.memref_slice %arg10[%dma_wait3A_340] : memref<8x!tpu.dma_semaphore, #tpu.memory_space<semaphore_mem>> -> memref<1x!tpu.dma_semaphore, #tpu.memory_space<semaphore_mem>>
      %dma_wait3A_352 = tpu.memref_squeeze %dma_wait3A_351 : memref<1x!tpu.dma_semaphore, #tpu.memory_space<semaphore_mem>> -> memref<!tpu.dma_semaphore, #tpu.memory_space<semaphore_mem>>
      tpu.wait_indirect_dma semaphore(%dma_wait3A_352 : memref<!tpu.dma_semaphore, #tpu.memory_space<semaphore_mem>>) src(%dma_wait3A_350 : memref<100000x16xf32, #tpu.memory_space<hbm>>) dst(%dma_wait3A_344 : memref<200x16xf32, #tpu.memory_space<vmem>>)
      %add3A_353 = arith.constant 7 : i32
      %add3A_354 = arith.addi %add3A_338, %add3A_353 : i32
      %lt3A_355 = arith.constant 128 : i32
      %lt3A_356 = arith.cmpi slt, %add3A_354, %lt3A_355 : i32
      %convert_element_type3A_357 = arith.extui %lt3A_356 : i1 to i32
      %cond3A_358 = arith.constant 0 : i32
      %cond3A_359 = arith.cmpi ne, %convert_element_type3A_357, %cond3A_358 : i32
      scf.if %cond3A_359 {
        %add3A_414 = arith.constant 7 : i32
        %add3A_415 = arith.addi %add3A_338, %add3A_414 : i32
        %dma_start3A_416 = arith.constant 5 : i32
        %dma_start3A_417 = arith.constant 5 : i32
        %dma_start3A_418 = arith.constant 0 : i32
        %dma_start3A_419 = arith.constant 0 : i32
        %dma_start3A_420 = tpu.memref_slice %arg7[%dma_start3A_416, %dma_start3A_418, %dma_start3A_419] : memref<8x200x16xf32, #tpu.memory_space<vmem>> -> memref<1x200x16xf32, #tpu.memory_space<vmem>>
        %dma_start3A_421 = tpu.memref_squeeze %dma_start3A_420 : memref<1x200x16xf32, #tpu.memory_space<vmem>> -> memref<200x16xf32, #tpu.memory_space<vmem>>
        %dma_start3A_422 = arith.constant 0 : i32
        %dma_start3A_423 = tpu.memref_slice %arg6[%add3A_415, %dma_start3A_422] : memref<128x200xi32, #tpu.memory_space<vmem>> -> memref<1x200xi32, #tpu.memory_space<vmem>>
        %dma_start3A_424 = tpu.memref_squeeze %dma_start3A_423 : memref<1x200xi32, #tpu.memory_space<vmem>> -> memref<200xi32, #tpu.memory_space<vmem>>
        %dma_start3A_425 = arith.constant 0 : i32
        %dma_start3A_426 = arith.constant 0 : i32
        %dma_start3A_427 = tpu.memref_slice %arg2[%dma_start3A_425, %dma_start3A_426] : memref<100000x16xf32, #tpu.memory_space<hbm>> -> memref<100000x16xf32, #tpu.memory_space<hbm>>
        %dma_start3A_428 = tpu.memref_slice %arg10[%dma_start3A_417] : memref<8x!tpu.dma_semaphore, #tpu.memory_space<semaphore_mem>> -> memref<1x!tpu.dma_semaphore, #tpu.memory_space<semaphore_mem>>
        %dma_start3A_429 = tpu.memref_squeeze %dma_start3A_428 : memref<1x!tpu.dma_semaphore, #tpu.memory_space<semaphore_mem>> -> memref<!tpu.dma_semaphore, #tpu.memory_space<semaphore_mem>>
        tpu.enqueue_indirect_dma source(%dma_start3A_427 : memref<100000x16xf32, #tpu.memory_space<hbm>>) target(%dma_start3A_421 : memref<200x16xf32, #tpu.memory_space<vmem>>) offsets(%dma_start3A_424 : memref<200xi32, #tpu.memory_space<vmem>>) semaphore(%dma_start3A_429 : memref<!tpu.dma_semaphore, #tpu.memory_space<semaphore_mem>>)
      } else {
      }
      %scan3A_360 = arith.constant 0 : i32
      %scan3A_361 = arith.constant 25 : i32
      %scan3A_362 = arith.addi %scan3A_360, %scan3A_361 : i32
      %scan3A_363 = arith.constant 1 : i32
      %scan3A_364 = scf.for %scan3A_414 = %scan3A_360 to %scan3A_362 step %scan3A_363 iter_args(%scan3A_415 = %get3A_2) -> (vector<16xf32>)  : i32 {
        %mul3A_416 = arith.constant 8 : i32
        %mul3A_417 = arith.muli %mul3A_416, %scan3A_414 : i32
        %add3A_418 = arith.constant 0 : i32
        %add3A_419 = arith.addi %mul3A_417, %add3A_418 : i32
        %get3A_420 = arith.constant 6 : i32
        %get3A_421 = arith.index_cast %get3A_420 : i32 to index
        %get3A_422 = arith.index_cast %add3A_419 : i32 to index
        %get3A_423 = arith.constant 0 : index
        %get3A_424 = tpu.vector_load %arg7[%get3A_421, %get3A_422, %get3A_423] {strides = array<i32>} : memref<8x200x16xf32, #tpu.memory_space<vmem>>, vector<1x1x16xf32>,
        %get3A_425 = vector.shape_cast %get3A_424 : vector<1x1x16xf32> to vector<16xf32>
        %add3A_426 = arith.constant 1 : i32
        %add3A_427 = arith.addi %mul3A_417, %add3A_426 : i32
        %get3A_428 = arith.constant 6 : i32
        %get3A_429 = arith.index_cast %get3A_428 : i32 to index
        %get3A_430 = arith.index_cast %add3A_427 : i32 to index
        %get3A_431 = arith.constant 0 : index
        %get3A_432 = tpu.vector_load %arg7[%get3A_429, %get3A_430, %get3A_431] {strides = array<i32>} : memref<8x200x16xf32, #tpu.memory_space<vmem>>, vector<1x1x16xf32>,
        %get3A_433 = vector.shape_cast %get3A_432 : vector<1x1x16xf32> to vector<16xf32>
        %add3A_434 = arith.constant 2 : i32
        %add3A_435 = arith.addi %mul3A_417, %add3A_434 : i32
        %get3A_436 = arith.constant 6 : i32
        %get3A_437 = arith.index_cast %get3A_436 : i32 to index
        %get3A_438 = arith.index_cast %add3A_435 : i32 to index
        %get3A_439 = arith.constant 0 : index
        %get3A_440 = tpu.vector_load %arg7[%get3A_437, %get3A_438, %get3A_439] {strides = array<i32>} : memref<8x200x16xf32, #tpu.memory_space<vmem>>, vector<1x1x16xf32>,
        %get3A_441 = vector.shape_cast %get3A_440 : vector<1x1x16xf32> to vector<16xf32>
        %add3A_442 = arith.constant 3 : i32
        %add3A_443 = arith.addi %mul3A_417, %add3A_442 : i32
        %get3A_444 = arith.constant 6 : i32
        %get3A_445 = arith.index_cast %get3A_444 : i32 to index
        %get3A_446 = arith.index_cast %add3A_443 : i32 to index
        %get3A_447 = arith.constant 0 : index
        %get3A_448 = tpu.vector_load %arg7[%get3A_445, %get3A_446, %get3A_447] {strides = array<i32>} : memref<8x200x16xf32, #tpu.memory_space<vmem>>, vector<1x1x16xf32>,
        %get3A_449 = vector.shape_cast %get3A_448 : vector<1x1x16xf32> to vector<16xf32>
        %add3A_450 = arith.constant 4 : i32
        %add3A_451 = arith.addi %mul3A_417, %add3A_450 : i32
        %get3A_452 = arith.constant 6 : i32
        %get3A_453 = arith.index_cast %get3A_452 : i32 to index
        %get3A_454 = arith.index_cast %add3A_451 : i32 to index
        %get3A_455 = arith.constant 0 : index
        %get3A_456 = tpu.vector_load %arg7[%get3A_453, %get3A_454, %get3A_455] {strides = array<i32>} : memref<8x200x16xf32, #tpu.memory_space<vmem>>, vector<1x1x16xf32>,
        %get3A_457 = vector.shape_cast %get3A_456 : vector<1x1x16xf32> to vector<16xf32>
        %add3A_458 = arith.constant 5 : i32
        %add3A_459 = arith.addi %mul3A_417, %add3A_458 : i32
        %get3A_460 = arith.constant 6 : i32
        %get3A_461 = arith.index_cast %get3A_460 : i32 to index
        %get3A_462 = arith.index_cast %add3A_459 : i32 to index
        %get3A_463 = arith.constant 0 : index
        %get3A_464 = tpu.vector_load %arg7[%get3A_461, %get3A_462, %get3A_463] {strides = array<i32>} : memref<8x200x16xf32, #tpu.memory_space<vmem>>, vector<1x1x16xf32>,
        %get3A_465 = vector.shape_cast %get3A_464 : vector<1x1x16xf32> to vector<16xf32>
        %add3A_466 = arith.constant 6 : i32
        %add3A_467 = arith.addi %mul3A_417, %add3A_466 : i32
        %get3A_468 = arith.constant 6 : i32
        %get3A_469 = arith.index_cast %get3A_468 : i32 to index
        %get3A_470 = arith.index_cast %add3A_467 : i32 to index
        %get3A_471 = arith.constant 0 : index
        %get3A_472 = tpu.vector_load %arg7[%get3A_469, %get3A_470, %get3A_471] {strides = array<i32>} : memref<8x200x16xf32, #tpu.memory_space<vmem>>, vector<1x1x16xf32>,
        %get3A_473 = vector.shape_cast %get3A_472 : vector<1x1x16xf32> to vector<16xf32>
        %add3A_474 = arith.constant 7 : i32
        %add3A_475 = arith.addi %mul3A_417, %add3A_474 : i32
        %get3A_476 = arith.constant 6 : i32
        %get3A_477 = arith.index_cast %get3A_476 : i32 to index
        %get3A_478 = arith.index_cast %add3A_475 : i32 to index
        %get3A_479 = arith.constant 0 : index
        %get3A_480 = tpu.vector_load %arg7[%get3A_477, %get3A_478, %get3A_479] {strides = array<i32>} : memref<8x200x16xf32, #tpu.memory_space<vmem>>, vector<1x1x16xf32>,
        %get3A_481 = vector.shape_cast %get3A_480 : vector<1x1x16xf32> to vector<16xf32>
        %add3A_482 = arith.addf %get3A_425, %get3A_433 : vector<16xf32>
        %add3A_483 = arith.addf %get3A_441, %get3A_449 : vector<16xf32>
        %add3A_484 = arith.addf %add3A_482, %add3A_483 : vector<16xf32>
        %add3A_485 = arith.addf %get3A_457, %get3A_465 : vector<16xf32>
        %add3A_486 = arith.addf %get3A_473, %get3A_481 : vector<16xf32>
        %add3A_487 = arith.addf %add3A_485, %add3A_486 : vector<16xf32>
        %add3A_488 = arith.addf %add3A_484, %add3A_487 : vector<16xf32>
        %add3A_489 = arith.addf %scan3A_415, %add3A_488 : vector<16xf32>
        scf.yield %add3A_489 : vector<16xf32>
      }
      %scan3A_365 = arith.constant 25 : i32
      %swap3A_366 = arith.constant 6 : i32
      %swap3A_367 = arith.index_cast %swap3A_366 : i32 to index
      %swap3A_368 = arith.constant 0 : index
      %swap3A_369 = tpu.vector_load %arg8[%swap3A_367, %swap3A_368] {strides = array<i32>} : memref<8x16xf32, #tpu.memory_space<vmem>>, vector<1x16xf32>,
      %swap3A_370 = vector.shape_cast %swap3A_369 : vector<1x16xf32> to vector<16xf32>
      %swap3A_371 = vector.shape_cast %scan3A_364 : vector<16xf32> to vector<1x16xf32>
      tpu.vector_store %arg8[%swap3A_367, %swap3A_368], %swap3A_371 {strides = array<i32>} : memref<8x16xf32, #tpu.memory_space<vmem>>, vector<1x16xf32>,
      %mul3A_372 = arith.constant 8 : i32
      %mul3A_373 = arith.muli %mul3A_372, %add3A_117 : i32
      %add3A_374 = arith.constant 7 : i32
      %add3A_375 = arith.addi %mul3A_373, %add3A_374 : i32
      %dma_wait3A_376 = arith.constant 7 : i32
      %dma_wait3A_377 = arith.constant 7 : i32
      %dma_wait3A_378 = arith.constant 0 : i32
      %dma_wait3A_379 = arith.constant 0 : i32
      %dma_wait3A_380 = tpu.memref_slice %arg7[%dma_wait3A_376, %dma_wait3A_378, %dma_wait3A_379] : memref<8x200x16xf32, #tpu.memory_space<vmem>> -> memref<1x200x16xf32, #tpu.memory_space<vmem>>
      %dma_wait3A_381 = tpu.memref_squeeze %dma_wait3A_380 : memref<1x200x16xf32, #tpu.memory_space<vmem>> -> memref<200x16xf32, #tpu.memory_space<vmem>>
      %dma_wait3A_382 = arith.constant 0 : i32
      %dma_wait3A_383 = tpu.memref_slice %arg6[%add3A_375, %dma_wait3A_382] : memref<128x200xi32, #tpu.memory_space<vmem>> -> memref<1x200xi32, #tpu.memory_space<vmem>>
      %dma_wait3A_384 = tpu.memref_squeeze %dma_wait3A_383 : memref<1x200xi32, #tpu.memory_space<vmem>> -> memref<200xi32, #tpu.memory_space<vmem>>
      %dma_wait3A_385 = arith.constant 0 : i32
      %dma_wait3A_386 = arith.constant 0 : i32
      %dma_wait3A_387 = tpu.memref_slice %arg2[%dma_wait3A_385, %dma_wait3A_386] : memref<100000x16xf32, #tpu.memory_space<hbm>> -> memref<100000x16xf32, #tpu.memory_space<hbm>>
      %dma_wait3A_388 = tpu.memref_slice %arg10[%dma_wait3A_377] : memref<8x!tpu.dma_semaphore, #tpu.memory_space<semaphore_mem>> -> memref<1x!tpu.dma_semaphore, #tpu.memory_space<semaphore_mem>>
      %dma_wait3A_389 = tpu.memref_squeeze %dma_wait3A_388 : memref<1x!tpu.dma_semaphore, #tpu.memory_space<semaphore_mem>> -> memref<!tpu.dma_semaphore, #tpu.memory_space<semaphore_mem>>
      tpu.wait_indirect_dma semaphore(%dma_wait3A_389 : memref<!tpu.dma_semaphore, #tpu.memory_space<semaphore_mem>>) src(%dma_wait3A_387 : memref<100000x16xf32, #tpu.memory_space<hbm>>) dst(%dma_wait3A_381 : memref<200x16xf32, #tpu.memory_space<vmem>>)
      %add3A_390 = arith.constant 7 : i32
      %add3A_391 = arith.addi %add3A_375, %add3A_390 : i32
      %lt3A_392 = arith.constant 128 : i32
      %lt3A_393 = arith.cmpi slt, %add3A_391, %lt3A_392 : i32
      %convert_element_type3A_394 = arith.extui %lt3A_393 : i1 to i32
      %cond3A_395 = arith.constant 0 : i32
      %cond3A_396 = arith.cmpi ne, %convert_element_type3A_394, %cond3A_395 : i32
      scf.if %cond3A_396 {
        %add3A_414 = arith.constant 7 : i32
        %add3A_415 = arith.addi %add3A_375, %add3A_414 : i32
        %dma_start3A_416 = arith.constant 6 : i32
        %dma_start3A_417 = arith.constant 6 : i32
        %dma_start3A_418 = arith.constant 0 : i32
        %dma_start3A_419 = arith.constant 0 : i32
        %dma_start3A_420 = tpu.memref_slice %arg7[%dma_start3A_416, %dma_start3A_418, %dma_start3A_419] : memref<8x200x16xf32, #tpu.memory_space<vmem>> -> memref<1x200x16xf32, #tpu.memory_space<vmem>>
        %dma_start3A_421 = tpu.memref_squeeze %dma_start3A_420 : memref<1x200x16xf32, #tpu.memory_space<vmem>> -> memref<200x16xf32, #tpu.memory_space<vmem>>
        %dma_start3A_422 = arith.constant 0 : i32
        %dma_start3A_423 = tpu.memref_slice %arg6[%add3A_415, %dma_start3A_422] : memref<128x200xi32, #tpu.memory_space<vmem>> -> memref<1x200xi32, #tpu.memory_space<vmem>>
        %dma_start3A_424 = tpu.memref_squeeze %dma_start3A_423 : memref<1x200xi32, #tpu.memory_space<vmem>> -> memref<200xi32, #tpu.memory_space<vmem>>
        %dma_start3A_425 = arith.constant 0 : i32
        %dma_start3A_426 = arith.constant 0 : i32
        %dma_start3A_427 = tpu.memref_slice %arg2[%dma_start3A_425, %dma_start3A_426] : memref<100000x16xf32, #tpu.memory_space<hbm>> -> memref<100000x16xf32, #tpu.memory_space<hbm>>
        %dma_start3A_428 = tpu.memref_slice %arg10[%dma_start3A_417] : memref<8x!tpu.dma_semaphore, #tpu.memory_space<semaphore_mem>> -> memref<1x!tpu.dma_semaphore, #tpu.memory_space<semaphore_mem>>
        %dma_start3A_429 = tpu.memref_squeeze %dma_start3A_428 : memref<1x!tpu.dma_semaphore, #tpu.memory_space<semaphore_mem>> -> memref<!tpu.dma_semaphore, #tpu.memory_space<semaphore_mem>>
        tpu.enqueue_indirect_dma source(%dma_start3A_427 : memref<100000x16xf32, #tpu.memory_space<hbm>>) target(%dma_start3A_421 : memref<200x16xf32, #tpu.memory_space<vmem>>) offsets(%dma_start3A_424 : memref<200xi32, #tpu.memory_space<vmem>>) semaphore(%dma_start3A_429 : memref<!tpu.dma_semaphore, #tpu.memory_space<semaphore_mem>>)
      } else {
      }
      %scan3A_397 = arith.constant 0 : i32
      %scan3A_398 = arith.constant 25 : i32
      %scan3A_399 = arith.addi %scan3A_397, %scan3A_398 : i32
      %scan3A_400 = arith.constant 1 : i32
      %scan3A_401 = scf.for %scan3A_414 = %scan3A_397 to %scan3A_399 step %scan3A_400 iter_args(%scan3A_415 = %get3A_2) -> (vector<16xf32>)  : i32 {
        %mul3A_416 = arith.constant 8 : i32
        %mul3A_417 = arith.muli %mul3A_416, %scan3A_414 : i32
        %add3A_418 = arith.constant 0 : i32
        %add3A_419 = arith.addi %mul3A_417, %add3A_418 : i32
        %get3A_420 = arith.constant 7 : i32
        %get3A_421 = arith.index_cast %get3A_420 : i32 to index
        %get3A_422 = arith.index_cast %add3A_419 : i32 to index
        %get3A_423 = arith.constant 0 : index
        %get3A_424 = tpu.vector_load %arg7[%get3A_421, %get3A_422, %get3A_423] {strides = array<i32>} : memref<8x200x16xf32, #tpu.memory_space<vmem>>, vector<1x1x16xf32>,
        %get3A_425 = vector.shape_cast %get3A_424 : vector<1x1x16xf32> to vector<16xf32>
        %add3A_426 = arith.constant 1 : i32
        %add3A_427 = arith.addi %mul3A_417, %add3A_426 : i32
        %get3A_428 = arith.constant 7 : i32
        %get3A_429 = arith.index_cast %get3A_428 : i32 to index
        %get3A_430 = arith.index_cast %add3A_427 : i32 to index
        %get3A_431 = arith.constant 0 : index
        %get3A_432 = tpu.vector_load %arg7[%get3A_429, %get3A_430, %get3A_431] {strides = array<i32>} : memref<8x200x16xf32, #tpu.memory_space<vmem>>, vector<1x1x16xf32>,
        %get3A_433 = vector.shape_cast %get3A_432 : vector<1x1x16xf32> to vector<16xf32>
        %add3A_434 = arith.constant 2 : i32
        %add3A_435 = arith.addi %mul3A_417, %add3A_434 : i32
        %get3A_436 = arith.constant 7 : i32
        %get3A_437 = arith.index_cast %get3A_436 : i32 to index
        %get3A_438 = arith.index_cast %add3A_435 : i32 to index
        %get3A_439 = arith.constant 0 : index
        %get3A_440 = tpu.vector_load %arg7[%get3A_437, %get3A_438, %get3A_439] {strides = array<i32>} : memref<8x200x16xf32, #tpu.memory_space<vmem>>, vector<1x1x16xf32>,
        %get3A_441 = vector.shape_cast %get3A_440 : vector<1x1x16xf32> to vector<16xf32>
        %add3A_442 = arith.constant 3 : i32
        %add3A_443 = arith.addi %mul3A_417, %add3A_442 : i32
        %get3A_444 = arith.constant 7 : i32
        %get3A_445 = arith.index_cast %get3A_444 : i32 to index
        %get3A_446 = arith.index_cast %add3A_443 : i32 to index
        %get3A_447 = arith.constant 0 : index
        %get3A_448 = tpu.vector_load %arg7[%get3A_445, %get3A_446, %get3A_447] {strides = array<i32>} : memref<8x200x16xf32, #tpu.memory_space<vmem>>, vector<1x1x16xf32>,
        %get3A_449 = vector.shape_cast %get3A_448 : vector<1x1x16xf32> to vector<16xf32>
        %add3A_450 = arith.constant 4 : i32
        %add3A_451 = arith.addi %mul3A_417, %add3A_450 : i32
        %get3A_452 = arith.constant 7 : i32
        %get3A_453 = arith.index_cast %get3A_452 : i32 to index
        %get3A_454 = arith.index_cast %add3A_451 : i32 to index
        %get3A_455 = arith.constant 0 : index
        %get3A_456 = tpu.vector_load %arg7[%get3A_453, %get3A_454, %get3A_455] {strides = array<i32>} : memref<8x200x16xf32, #tpu.memory_space<vmem>>, vector<1x1x16xf32>,
        %get3A_457 = vector.shape_cast %get3A_456 : vector<1x1x16xf32> to vector<16xf32>
        %add3A_458 = arith.constant 5 : i32
        %add3A_459 = arith.addi %mul3A_417, %add3A_458 : i32
        %get3A_460 = arith.constant 7 : i32
        %get3A_461 = arith.index_cast %get3A_460 : i32 to index
        %get3A_462 = arith.index_cast %add3A_459 : i32 to index
        %get3A_463 = arith.constant 0 : index
        %get3A_464 = tpu.vector_load %arg7[%get3A_461, %get3A_462, %get3A_463] {strides = array<i32>} : memref<8x200x16xf32, #tpu.memory_space<vmem>>, vector<1x1x16xf32>,
        %get3A_465 = vector.shape_cast %get3A_464 : vector<1x1x16xf32> to vector<16xf32>
        %add3A_466 = arith.constant 6 : i32
        %add3A_467 = arith.addi %mul3A_417, %add3A_466 : i32
        %get3A_468 = arith.constant 7 : i32
        %get3A_469 = arith.index_cast %get3A_468 : i32 to index
        %get3A_470 = arith.index_cast %add3A_467 : i32 to index
        %get3A_471 = arith.constant 0 : index
        %get3A_472 = tpu.vector_load %arg7[%get3A_469, %get3A_470, %get3A_471] {strides = array<i32>} : memref<8x200x16xf32, #tpu.memory_space<vmem>>, vector<1x1x16xf32>,
        %get3A_473 = vector.shape_cast %get3A_472 : vector<1x1x16xf32> to vector<16xf32>
        %add3A_474 = arith.constant 7 : i32
        %add3A_475 = arith.addi %mul3A_417, %add3A_474 : i32
        %get3A_476 = arith.constant 7 : i32
        %get3A_477 = arith.index_cast %get3A_476 : i32 to index
        %get3A_478 = arith.index_cast %add3A_475 : i32 to index
        %get3A_479 = arith.constant 0 : index
        %get3A_480 = tpu.vector_load %arg7[%get3A_477, %get3A_478, %get3A_479] {strides = array<i32>} : memref<8x200x16xf32, #tpu.memory_space<vmem>>, vector<1x1x16xf32>,
        %get3A_481 = vector.shape_cast %get3A_480 : vector<1x1x16xf32> to vector<16xf32>
        %add3A_482 = arith.addf %get3A_425, %get3A_433 : vector<16xf32>
        %add3A_483 = arith.addf %get3A_441, %get3A_449 : vector<16xf32>
        %add3A_484 = arith.addf %add3A_482, %add3A_483 : vector<16xf32>
        %add3A_485 = arith.addf %get3A_457, %get3A_465 : vector<16xf32>
        %add3A_486 = arith.addf %get3A_473, %get3A_481 : vector<16xf32>
        %add3A_487 = arith.addf %add3A_485, %add3A_486 : vector<16xf32>
        %add3A_488 = arith.addf %add3A_484, %add3A_487 : vector<16xf32>
        %add3A_489 = arith.addf %scan3A_415, %add3A_488 : vector<16xf32>
        scf.yield %add3A_489 : vector<16xf32>
      }
      %scan3A_402 = arith.constant 25 : i32
      %swap3A_403 = arith.constant 7 : i32
      %swap3A_404 = arith.index_cast %swap3A_403 : i32 to index
      %swap3A_405 = arith.constant 0 : index
      %swap3A_406 = tpu.vector_load %arg8[%swap3A_404, %swap3A_405] {strides = array<i32>} : memref<8x16xf32, #tpu.memory_space<vmem>>, vector<1x16xf32>,
      %swap3A_407 = vector.shape_cast %swap3A_406 : vector<1x16xf32> to vector<16xf32>
      %swap3A_408 = vector.shape_cast %scan3A_401 : vector<16xf32> to vector<1x16xf32>
      tpu.vector_store %arg8[%swap3A_404, %swap3A_405], %swap3A_408 {strides = array<i32>} : memref<8x16xf32, #tpu.memory_space<vmem>>, vector<1x16xf32>,
      %mul3A_409 = arith.constant 128 : i32
      %mul3A_410 = arith.muli %add3A, %mul3A_409 : i32
      %mul3A_411 = arith.constant 8 : i32
      %mul3A_412 = arith.muli %mul3A_411, %add3A_117 : i32
      %add3A_413 = arith.addi %mul3A_410, %mul3A_412 : i32
      "tpu.region"() ({
        %run_scoped3A = tpu.sem_alloc : memref<!tpu.dma_semaphore, #tpu.memory_space<semaphore_mem>>
        %dma_start3A_414 = arith.constant 0 : i32
        %dma_start3A_415 = tpu.memref_slice %arg5[%add3A_413, %dma_start3A_414] : memref<4096x16xf32, #tpu.memory_space<hbm>> -> memref<8x16xf32, #tpu.memory_space<hbm>>
        %dma_start3A_416 = arith.constant 0 : i32
        %dma_start3A_417 = tpu.memref_slice %arg5[%add3A_413, %dma_start3A_416] : memref<4096x16xf32, #tpu.memory_space<hbm>> -> memref<8x16xf32, #tpu.memory_space<hbm>>
        tpu.enqueue_dma source(%arg8 : memref<8x16xf32, #tpu.memory_space<vmem>>) target(%dma_start3A_417 : memref<8x16xf32, #tpu.memory_space<hbm>>) target_semaphore(%run_scoped3A : memref<!tpu.dma_semaphore, #tpu.memory_space<semaphore_mem>>)
        %dma_wait3A_418 = arith.constant 0 : i32
        %dma_wait3A_419 = tpu.memref_slice %arg5[%add3A_413, %dma_wait3A_418] : memref<4096x16xf32, #tpu.memory_space<hbm>> -> memref<8x16xf32, #tpu.memory_space<hbm>>
        %dma_wait3A_420 = arith.constant 0 : i32
        %dma_wait3A_421 = tpu.memref_slice %arg5[%add3A_413, %dma_wait3A_420] : memref<4096x16xf32, #tpu.memory_space<hbm>> -> memref<8x16xf32, #tpu.memory_space<hbm>>
        tpu.wait_dma2 semaphore(%run_scoped3A : memref<!tpu.dma_semaphore, #tpu.memory_space<semaphore_mem>>) src(%arg8 : memref<8x16xf32, #tpu.memory_space<vmem>>) dst(%dma_wait3A_421 : memref<8x16xf32, #tpu.memory_space<hbm>>)
        tpu.yield
      }) : () -> ()
    }
    %scan3A_112 = arith.constant 16 : i32
    return
  }
}

module attributes {stable_mosaic.version = 14 : i64} {
  func.func @_matmul_body(%arg0: i32, %arg1: memref<1024x1x1x128xf32, #tpu.memory_space<vmem>>, %arg2: memref<1024x1x1x128xf32, #tpu.memory_space<vmem>>, %arg3: memref<1024x1x1x128xf32, #tpu.memory_space<vmem>>, %arg4: memref<1024x1x1x128xf32, #tpu.memory_space<vmem>>, %arg5: memref<1024x1x1x128xf32, #tpu.memory_space<vmem>>, %arg6: memref<1024x1x1x128xf32, #tpu.memory_space<vmem>>, %arg7: memref<1024x1x1x128xf32, #tpu.memory_space<vmem>>, %arg8: memref<1024x1x1x128xf32, #tpu.memory_space<vmem>>, %arg9: memref<128x16xf32, #tpu.memory_space<vmem>>, %arg10: memref<1024x128xf32, #tpu.memory_space<vmem>>) attributes {dimension_semantics = [#tpu.dimension_semantics<arbitrary>], iteration_bounds = array<i64: 13>, scalar_prefetch = 0 : i64, scratch_operands = 0 : i64, tpu.core_type = #tpu.core_type<tc>, window_params = [{transform_indices = @transform_0, window_bounds = array<i64: 1024, 1, 1, 128>}, {transform_indices = @transform_1, window_bounds = array<i64: 1024, 1, 1, 128>}, {transform_indices = @transform_2, window_bounds = array<i64: 1024, 1, 1, 128>}, {transform_indices = @transform_3, window_bounds = array<i64: 1024, 1, 1, 128>}, {transform_indices = @transform_4, window_bounds = array<i64: 1024, 1, 1, 128>}, {transform_indices = @transform_5, window_bounds = array<i64: 1024, 1, 1, 128>}, {transform_indices = @transform_6, window_bounds = array<i64: 1024, 1, 1, 128>}, {transform_indices = @transform_7, window_bounds = array<i64: 1024, 1, 1, 128>}, {pipeline_mode = #tpu.pipeline_mode<synchronous>, transform_indices = @transform_8, window_bounds = array<i64: 128, 16>}, {transform_indices = @transform_9, window_bounds = array<i64: 1024, 128>}]} {
    %get3A = arith.constant 0 : index
    %get3A_0 = arith.constant 0 : index
    %get3A_1 = vector.load %arg9[%get3A, %get3A_0] : memref<128x16xf32, #tpu.memory_space<vmem>>, vector<128x16xf32>
    %get3A_2 = arith.constant 0 : index
    %get3A_3 = arith.constant 0 : index
    %get3A_4 = arith.constant 0 : index
    %get3A_5 = arith.constant 0 : index
    %get3A_6 = vector.load %arg1[%get3A_2, %get3A_3, %get3A_4, %get3A_5] : memref<1024x1x1x128xf32, #tpu.memory_space<vmem>>, vector<1024x1x1x128xf32>
    %get3A_7 = vector.shape_cast %get3A_6 : vector<1024x1x1x128xf32> to vector<1024x128xf32>
    %dot_general3A = arith.constant dense<0.000000e+00> : vector<1024x16xf32>
    %dot_general3A_8 = tpu.matmul %get3A_7, %get3A_1, %dot_general3A {dimension_numbers = #tpu.dot_dimension_numbers<[1], [0], [0], [1], [0, 0, 1, 1], [], []>, transpose_lhs_hint = false} : vector<1024x128xf32>, vector<128x16xf32>, vector<1024x16xf32> -> vector<1024x16xf32>
    %swap3A = arith.constant 0 : index
    %swap3A_9 = arith.constant 0 : index
    %swap3A_10 = vector.load %arg10[%swap3A, %swap3A_9] : memref<1024x128xf32, #tpu.memory_space<vmem>>, vector<1024x16xf32>
    tpu.vector_store %arg10[%swap3A, %swap3A_9], %dot_general3A_8 {strides = array<i32>} : memref<1024x128xf32, #tpu.memory_space<vmem>>, vector<1024x16xf32>,
    %get3A_11 = arith.constant 0 : index
    %get3A_12 = arith.constant 0 : index
    %get3A_13 = arith.constant 0 : index
    %get3A_14 = arith.constant 0 : index
    %get3A_15 = vector.load %arg2[%get3A_11, %get3A_12, %get3A_13, %get3A_14] : memref<1024x1x1x128xf32, #tpu.memory_space<vmem>>, vector<1024x1x1x128xf32>
    %get3A_16 = vector.shape_cast %get3A_15 : vector<1024x1x1x128xf32> to vector<1024x128xf32>
    %dot_general3A_17 = arith.constant dense<0.000000e+00> : vector<1024x16xf32>
    %dot_general3A_18 = tpu.matmul %get3A_16, %get3A_1, %dot_general3A_17 {dimension_numbers = #tpu.dot_dimension_numbers<[1], [0], [0], [1], [0, 0, 1, 1], [], []>, transpose_lhs_hint = false} : vector<1024x128xf32>, vector<128x16xf32>, vector<1024x16xf32> -> vector<1024x16xf32>
    %swap3A_19 = arith.constant 0 : index
    %swap3A_20 = arith.constant 16 : index
    %swap3A_21 = vector.load %arg10[%swap3A_19, %swap3A_20] : memref<1024x128xf32, #tpu.memory_space<vmem>>, vector<1024x16xf32>
    tpu.vector_store %arg10[%swap3A_19, %swap3A_20], %dot_general3A_18 {strides = array<i32>} : memref<1024x128xf32, #tpu.memory_space<vmem>>, vector<1024x16xf32>,
    %get3A_22 = arith.constant 0 : index
    %get3A_23 = arith.constant 0 : index
    %get3A_24 = arith.constant 0 : index
    %get3A_25 = arith.constant 0 : index
    %get3A_26 = vector.load %arg3[%get3A_22, %get3A_23, %get3A_24, %get3A_25] : memref<1024x1x1x128xf32, #tpu.memory_space<vmem>>, vector<1024x1x1x128xf32>
    %get3A_27 = vector.shape_cast %get3A_26 : vector<1024x1x1x128xf32> to vector<1024x128xf32>
    %dot_general3A_28 = arith.constant dense<0.000000e+00> : vector<1024x16xf32>
    %dot_general3A_29 = tpu.matmul %get3A_27, %get3A_1, %dot_general3A_28 {dimension_numbers = #tpu.dot_dimension_numbers<[1], [0], [0], [1], [0, 0, 1, 1], [], []>, transpose_lhs_hint = false} : vector<1024x128xf32>, vector<128x16xf32>, vector<1024x16xf32> -> vector<1024x16xf32>
    %swap3A_30 = arith.constant 0 : index
    %swap3A_31 = arith.constant 32 : index
    %swap3A_32 = vector.load %arg10[%swap3A_30, %swap3A_31] : memref<1024x128xf32, #tpu.memory_space<vmem>>, vector<1024x16xf32>
    tpu.vector_store %arg10[%swap3A_30, %swap3A_31], %dot_general3A_29 {strides = array<i32>} : memref<1024x128xf32, #tpu.memory_space<vmem>>, vector<1024x16xf32>,
    %get3A_33 = arith.constant 0 : index
    %get3A_34 = arith.constant 0 : index
    %get3A_35 = arith.constant 0 : index
    %get3A_36 = arith.constant 0 : index
    %get3A_37 = vector.load %arg4[%get3A_33, %get3A_34, %get3A_35, %get3A_36] : memref<1024x1x1x128xf32, #tpu.memory_space<vmem>>, vector<1024x1x1x128xf32>
    %get3A_38 = vector.shape_cast %get3A_37 : vector<1024x1x1x128xf32> to vector<1024x128xf32>
    %dot_general3A_39 = arith.constant dense<0.000000e+00> : vector<1024x16xf32>
    %dot_general3A_40 = tpu.matmul %get3A_38, %get3A_1, %dot_general3A_39 {dimension_numbers = #tpu.dot_dimension_numbers<[1], [0], [0], [1], [0, 0, 1, 1], [], []>, transpose_lhs_hint = false} : vector<1024x128xf32>, vector<128x16xf32>, vector<1024x16xf32> -> vector<1024x16xf32>
    %swap3A_41 = arith.constant 0 : index
    %swap3A_42 = arith.constant 48 : index
    %swap3A_43 = vector.load %arg10[%swap3A_41, %swap3A_42] : memref<1024x128xf32, #tpu.memory_space<vmem>>, vector<1024x16xf32>
    tpu.vector_store %arg10[%swap3A_41, %swap3A_42], %dot_general3A_40 {strides = array<i32>} : memref<1024x128xf32, #tpu.memory_space<vmem>>, vector<1024x16xf32>,
    %get3A_44 = arith.constant 0 : index
    %get3A_45 = arith.constant 0 : index
    %get3A_46 = arith.constant 0 : index
    %get3A_47 = arith.constant 0 : index
    %get3A_48 = vector.load %arg5[%get3A_44, %get3A_45, %get3A_46, %get3A_47] : memref<1024x1x1x128xf32, #tpu.memory_space<vmem>>, vector<1024x1x1x128xf32>
    %get3A_49 = vector.shape_cast %get3A_48 : vector<1024x1x1x128xf32> to vector<1024x128xf32>
    %dot_general3A_50 = arith.constant dense<0.000000e+00> : vector<1024x16xf32>
    %dot_general3A_51 = tpu.matmul %get3A_49, %get3A_1, %dot_general3A_50 {dimension_numbers = #tpu.dot_dimension_numbers<[1], [0], [0], [1], [0, 0, 1, 1], [], []>, transpose_lhs_hint = false} : vector<1024x128xf32>, vector<128x16xf32>, vector<1024x16xf32> -> vector<1024x16xf32>
    %swap3A_52 = arith.constant 0 : index
    %swap3A_53 = arith.constant 64 : index
    %swap3A_54 = vector.load %arg10[%swap3A_52, %swap3A_53] : memref<1024x128xf32, #tpu.memory_space<vmem>>, vector<1024x16xf32>
    tpu.vector_store %arg10[%swap3A_52, %swap3A_53], %dot_general3A_51 {strides = array<i32>} : memref<1024x128xf32, #tpu.memory_space<vmem>>, vector<1024x16xf32>,
    %get3A_55 = arith.constant 0 : index
    %get3A_56 = arith.constant 0 : index
    %get3A_57 = arith.constant 0 : index
    %get3A_58 = arith.constant 0 : index
    %get3A_59 = vector.load %arg6[%get3A_55, %get3A_56, %get3A_57, %get3A_58] : memref<1024x1x1x128xf32, #tpu.memory_space<vmem>>, vector<1024x1x1x128xf32>
    %get3A_60 = vector.shape_cast %get3A_59 : vector<1024x1x1x128xf32> to vector<1024x128xf32>
    %dot_general3A_61 = arith.constant dense<0.000000e+00> : vector<1024x16xf32>
    %dot_general3A_62 = tpu.matmul %get3A_60, %get3A_1, %dot_general3A_61 {dimension_numbers = #tpu.dot_dimension_numbers<[1], [0], [0], [1], [0, 0, 1, 1], [], []>, transpose_lhs_hint = false} : vector<1024x128xf32>, vector<128x16xf32>, vector<1024x16xf32> -> vector<1024x16xf32>
    %swap3A_63 = arith.constant 0 : index
    %swap3A_64 = arith.constant 80 : index
    %swap3A_65 = vector.load %arg10[%swap3A_63, %swap3A_64] : memref<1024x128xf32, #tpu.memory_space<vmem>>, vector<1024x16xf32>
    tpu.vector_store %arg10[%swap3A_63, %swap3A_64], %dot_general3A_62 {strides = array<i32>} : memref<1024x128xf32, #tpu.memory_space<vmem>>, vector<1024x16xf32>,
    %get3A_66 = arith.constant 0 : index
    %get3A_67 = arith.constant 0 : index
    %get3A_68 = arith.constant 0 : index
    %get3A_69 = arith.constant 0 : index
    %get3A_70 = vector.load %arg7[%get3A_66, %get3A_67, %get3A_68, %get3A_69] : memref<1024x1x1x128xf32, #tpu.memory_space<vmem>>, vector<1024x1x1x128xf32>
    %get3A_71 = vector.shape_cast %get3A_70 : vector<1024x1x1x128xf32> to vector<1024x128xf32>
    %dot_general3A_72 = arith.constant dense<0.000000e+00> : vector<1024x16xf32>
    %dot_general3A_73 = tpu.matmul %get3A_71, %get3A_1, %dot_general3A_72 {dimension_numbers = #tpu.dot_dimension_numbers<[1], [0], [0], [1], [0, 0, 1, 1], [], []>, transpose_lhs_hint = false} : vector<1024x128xf32>, vector<128x16xf32>, vector<1024x16xf32> -> vector<1024x16xf32>
    %swap3A_74 = arith.constant 0 : index
    %swap3A_75 = arith.constant 96 : index
    %swap3A_76 = vector.load %arg10[%swap3A_74, %swap3A_75] : memref<1024x128xf32, #tpu.memory_space<vmem>>, vector<1024x16xf32>
    tpu.vector_store %arg10[%swap3A_74, %swap3A_75], %dot_general3A_73 {strides = array<i32>} : memref<1024x128xf32, #tpu.memory_space<vmem>>, vector<1024x16xf32>,
    %get3A_77 = arith.constant 0 : index
    %get3A_78 = arith.constant 0 : index
    %get3A_79 = arith.constant 0 : index
    %get3A_80 = arith.constant 0 : index
    %get3A_81 = vector.load %arg8[%get3A_77, %get3A_78, %get3A_79, %get3A_80] : memref<1024x1x1x128xf32, #tpu.memory_space<vmem>>, vector<1024x1x1x128xf32>
    %get3A_82 = vector.shape_cast %get3A_81 : vector<1024x1x1x128xf32> to vector<1024x128xf32>
    %dot_general3A_83 = arith.constant dense<0.000000e+00> : vector<1024x16xf32>
    %dot_general3A_84 = tpu.matmul %get3A_82, %get3A_1, %dot_general3A_83 {dimension_numbers = #tpu.dot_dimension_numbers<[1], [0], [0], [1], [0, 0, 1, 1], [], []>, transpose_lhs_hint = false} : vector<1024x128xf32>, vector<128x16xf32>, vector<1024x16xf32> -> vector<1024x16xf32>
    %swap3A_85 = arith.constant 0 : index
    %swap3A_86 = arith.constant 112 : index
    %swap3A_87 = vector.load %arg10[%swap3A_85, %swap3A_86] : memref<1024x128xf32, #tpu.memory_space<vmem>>, vector<1024x16xf32>
    tpu.vector_store %arg10[%swap3A_85, %swap3A_86], %dot_general3A_84 {strides = array<i32>} : memref<1024x128xf32, #tpu.memory_space<vmem>>, vector<1024x16xf32>,
    return
  }
  func.func @transform_0(%arg0: i32) -> (i32, i32, i32, i32) {
    %c0_i32 = arith.constant 0 : i32
    %c0_i32_0 = arith.constant 0 : i32
    %c0_i32_1 = arith.constant 0 : i32
    %c0_i32_2 = arith.constant 0 : i32
    return %arg0, %c0_i32, %c0_i32_0, %c0_i32_1 : i32, i32, i32, i32
  }
  func.func @transform_1(%arg0: i32) -> (i32, i32, i32, i32) {
    %c1_i32 = arith.constant 1 : i32
    %c0_i32 = arith.constant 0 : i32
    %c0_i32_0 = arith.constant 0 : i32
    %c0_i32_1 = arith.constant 0 : i32
    return %arg0, %c1_i32, %c0_i32, %c0_i32_0 : i32, i32, i32, i32
  }
  func.func @transform_2(%arg0: i32) -> (i32, i32, i32, i32) {
    %c2_i32 = arith.constant 2 : i32
    %c0_i32 = arith.constant 0 : i32
    %c0_i32_0 = arith.constant 0 : i32
    %c0_i32_1 = arith.constant 0 : i32
    return %arg0, %c2_i32, %c0_i32, %c0_i32_0 : i32, i32, i32, i32
  }
  func.func @transform_3(%arg0: i32) -> (i32, i32, i32, i32) {
    %c3_i32 = arith.constant 3 : i32
    %c0_i32 = arith.constant 0 : i32
    %c0_i32_0 = arith.constant 0 : i32
    %c0_i32_1 = arith.constant 0 : i32
    return %arg0, %c3_i32, %c0_i32, %c0_i32_0 : i32, i32, i32, i32
  }
  func.func @transform_4(%arg0: i32) -> (i32, i32, i32, i32) {
    %c4_i32 = arith.constant 4 : i32
    %c0_i32 = arith.constant 0 : i32
    %c0_i32_0 = arith.constant 0 : i32
    %c0_i32_1 = arith.constant 0 : i32
    return %arg0, %c4_i32, %c0_i32, %c0_i32_0 : i32, i32, i32, i32
  }
  func.func @transform_5(%arg0: i32) -> (i32, i32, i32, i32) {
    %c5_i32 = arith.constant 5 : i32
    %c0_i32 = arith.constant 0 : i32
    %c0_i32_0 = arith.constant 0 : i32
    %c0_i32_1 = arith.constant 0 : i32
    return %arg0, %c5_i32, %c0_i32, %c0_i32_0 : i32, i32, i32, i32
  }
  func.func @transform_6(%arg0: i32) -> (i32, i32, i32, i32) {
    %c6_i32 = arith.constant 6 : i32
    %c0_i32 = arith.constant 0 : i32
    %c0_i32_0 = arith.constant 0 : i32
    %c0_i32_1 = arith.constant 0 : i32
    return %arg0, %c6_i32, %c0_i32, %c0_i32_0 : i32, i32, i32, i32
  }
  func.func @transform_7(%arg0: i32) -> (i32, i32, i32, i32) {
    %c7_i32 = arith.constant 7 : i32
    %c0_i32 = arith.constant 0 : i32
    %c0_i32_0 = arith.constant 0 : i32
    %c0_i32_1 = arith.constant 0 : i32
    return %arg0, %c7_i32, %c0_i32, %c0_i32_0 : i32, i32, i32, i32
  }
  func.func @transform_8(%arg0: i32) -> (i32, i32) {
    %c0_i32 = arith.constant 0 : i32
    %c0_i32_0 = arith.constant 0 : i32
    %c0_i32_1 = arith.constant 0 : i32
    return %c0_i32, %c0_i32_0 : i32, i32
  }
  func.func @transform_9(%arg0: i32) -> (i32, i32) {
    %c0_i32 = arith.constant 0 : i32
    %c0_i32_0 = arith.constant 0 : i32
    return %arg0, %c0_i32 : i32, i32
  }
}

</mosaic_0001>

<sc_bundles>
// kernel: kernel.4.cloned.1.call-start
scs
__scs_entry_jumppad:
0x0: {  	(pc) =	sbr.rel $0x88, $3  }
0x1: {  	(tag) =	ssettag $0x0;
	lr =	simm.s32 $0x1  }
0x2: {  	[smem:$0x3F9D] =	sst lr;
	_ =	strace $0xD0000000  }
0x3: {  	_ = 	snop  }
0x4: {  	_ = 	snop  }
0x5: {  	_ = 	snop  }
0x6: {  	_ = 	snop  }
0x7: {  	_ = 	snop  }
__scs_overlays_trampoline_lowered:
0x8: {  	[smem:$0x3FAC] =	sst s0  }
0x9: {  	[smem:$0x3FAD] =	sst s1  }
0xa: {  	[smem:$0x3FAE] =	sst s2  }
0xb: {  	[smem:$0x3FAF] =	sst s3  }
0xc: {  	[smem:$0x3FB0] =	sst s4  }
0xd: {  	[smem:$0x3FB1] =	sst s5  }
0xe: {  	[smem:$0x3FB2] =	sst s6  }
0xf: {  	[smem:$0x3FB3] =	sst s7  }
0x10: {  	[smem:$0x3FB4] =	sst s8  }
0x11: {  	[smem:$0x3FB5] =	sst s9;
	s0 =	simm.s32 @!p0 $0x0  }
0x12: {  	s1 =	sld [smem:$0x3F9B];
	s0 =	simm.s32 @p0 $0x1  }
0x13: {  	[smem:$0x3FB6] =	sst s0;
	s0 =	simm.s32 @!p1 $0x0  }
0x14: {  	s2 =	sld [smem:$0x3F9A];
	s0 =	simm.s32 @p1 $0x1  }
0x15: {  	[smem:$0x3FB7] =	sst s0;
	s0 =	simm.s32 @!p2 $0x0  }
0x16: {  	s3 =	sld [smem:$0x3FDB];
	s0 =	simm.s32 @p2 $0x1  }
0x17: {  	s4 =	simm.s32 $0x1BF5;
	[smem:$0x3FB9] =	sst s0  }
0x18: {  	s0 =	sld [smem:$0x3F9C];
	_ =	swait.ge [sflag:s4], $0x0  }
0x19: {  	s7 =	sld [smem:$0x3F9D]  }
0x1a: {  	s8 =	sadd.s32 $0xFFFFE003, lr  }
0x1b: {  	s9 =	sadd.s32 $0xFFFFFEF7, lr;
	s5 =	simm.s32 $0xFFFFFFFF;
	p2 =	slt.u32 s8, $0xFFFFF086  }
0x1c: {  	p1 =	slt.u32 s9, $0xF7A;
	s5 =	simm.s32 @!p2 $0x0  }
0x1d: {  	s5 =	simm.s32 @p1 $0x1;
	p0 =	seq.s32 s7, s2  }
0x1e: {  	s7 =	smul.u32 @!p0 $0xF7A, s2;
	p2 =	seq.s32 @!p0 s5, $0x0  }
0x1f: {  	s9 =	smul.u32 $0xF7A, s1;
	s8 =	simm.s32 @!p0 $0x1BF5;
	p2 =	por !p2, p0  }
0x20: {  	[sflag:s8] =	ssyncset.s32 @!p0 $0xFFFFF086;
	s6 =	sadd.s32 @!p0 s3, s7;
	s7 =	simm.s32 @!p0 $0x108  }
0x21: {  	s3 =	sadd.s32 s3, s9;
	s6 =	sadd.s32 @!p0 $0x88, s6;
	s7 =	simm.s32 @p2 $0x1082  }
0x22: {  	[simem:s7], [sflag:s8] =	dma.local @!p0 [hbm:s6], $0xF7A  }
0x23: {  	s9 =	sor.u32 $0xD0000000, s2;
	s6 =	simm.s32 $0x108;
	_ =	swait.ge @!p0 [sflag:s8], $0x0  }
0x24: {  	s3 =	sadd.s32 $0x88, s3;
	s6 =	simm.s32 @!p1 $0x1082;
	[sflag:s4] =	ssyncset.s32 $0xFFFFF086  }
0x25: {  	[simem:s6], [sflag:s4] =	dma.local [hbm:s3], $0xF7A  }
0x26: {  	[smem:$0x3F9D] =	sst s1;
	(tag) =	ssettag s2;
	_ =	strace s9  }
0x27: {  	s1 =	sld [smem:$0x3FAD]  }
0x28: {  	s2 =	sld [smem:$0x3FAE]  }
0x29: {  	s4 =	sld [smem:$0x3FB0]  }
0x2a: {  	p0 =	seq.s32 s5, $0x0;
	s5 =	sld [smem:$0x3FB1]  }
0x2b: {  	s6 =	sld [smem:$0x3FB2]  }
0x2c: {  	s7 =	sld [smem:$0x3FB3]  }
0x2d: {  	s3 =	simm.s32 $0x108;
	s8 =	sld [smem:$0x3FB4]  }
0x2e: {  	s3 =	simm.s32 @!p0 $0x1082;
	s9 =	sld [smem:$0x3FB5]  }
0x2f: {  	lr =	sadd.s32 s0, s3;
	s0 =	sld [smem:$0x3FAC]  }
0x30: {  	s3 =	sld [smem:$0x3FAF]  }
0x31: {  	[smem:$0x3FB8] =	sst s10  }
0x32: {  	s10 =	sld [smem:$0x3FB6];
	_ =	sdelay $0x3  }
0x33: {  	p0 =	seq.s32 s10, $0x1;
	s10 =	sld [smem:$0x3FB8];
	_ =	sdelay $0x3  }
0x34: {  	[smem:$0x3FB8] =	sst s10  }
0x35: {  	s10 =	sld [smem:$0x3FB7];
	_ =	sdelay $0x3  }
0x36: {  	p1 =	seq.s32 s10, $0x1;
	s10 =	sld [smem:$0x3FB8];
	_ =	sdelay $0x3  }
0x37: {  	[smem:$0x3FB8] =	sst s10  }
0x38: {  	s10 =	sld [smem:$0x3FB9]  }
0x39: {  	_ = 	snop;
	(pc) =	sbr.ind lr, $3  }
0x3a: {  	_ = 	snop  }
0x3b: {  	_ = 	snop  }
0x3c: {  	p2 =	seq.s32 s10, $0x1;
	s10 =	sld [smem:$0x3FB8]  }
0x3d: {  	_ =	shalt  }
0x3e: {  	_ =	shalt  }
0x3f: {  	_ =	shalt  }
0x40: {  	_ =	shalt  }
0x41: {  	_ =	shalt  }
0x42: {  	_ =	shalt  }
0x43: {  	_ =	shalt  }
0x44: {  	_ =	shalt  }
0x45: {  	_ =	shalt  }
0x46: {  	_ =	shalt  }
0x47: {  	_ =	shalt  }
0x48: {  	_ =	shalt  }
0x49: {  	_ =	shalt  }
0x4a: {  	_ =	shalt  }
0x4b: {  	_ =	shalt  }
0x4c: {  	_ =	shalt  }
0x4d: {  	_ =	shalt  }
0x4e: {  	_ =	shalt  }
0x4f: {  	_ =	shalt  }
0x50: {  	_ =	shalt  }
0x51: {  	_ =	shalt  }
0x52: {  	_ =	shalt  }
0x53: {  	_ =	shalt  }
0x54: {  	_ =	shalt  }
0x55: {  	_ =	shalt  }
0x56: {  	_ =	shalt  }
0x57: {  	_ =	shalt  }
0x58: {  	_ =	shalt  }
0x59: {  	_ =	shalt  }
0x5a: {  	_ =	shalt  }
0x5b: {  	_ =	shalt  }
0x5c: {  	_ =	shalt  }
0x5d: {  	_ =	shalt  }
0x5e: {  	_ =	shalt  }
0x5f: {  	_ =	shalt  }
0x60: {  	_ =	shalt  }
0x61: {  	_ =	shalt  }
0x62: {  	_ =	shalt  }
0x63: {  	_ =	shalt  }
0x64: {  	_ =	shalt  }
0x65: {  	_ =	shalt  }
0x66: {  	_ =	shalt  }
0x67: {  	_ =	shalt  }
0x68: {  	_ =	shalt  }
0x69: {  	_ =	shalt  }
0x6a: {  	_ =	shalt  }
0x6b: {  	_ =	shalt  }
0x6c: {  	_ =	shalt  }
0x6d: {  	_ =	shalt  }
0x6e: {  	_ =	shalt  }
0x6f: {  	_ =	shalt  }
0x70: {  	_ =	shalt  }
0x71: {  	_ =	shalt  }
0x72: {  	_ =	shalt  }
0x73: {  	_ =	shalt  }
0x74: {  	_ =	shalt  }
0x75: {  	_ =	shalt  }
0x76: {  	_ =	shalt  }
0x77: {  	_ =	shalt  }
0x78: {  	_ =	shalt  }
0x79: {  	_ =	shalt  }
0x7a: {  	_ =	shalt  }
0x7b: {  	_ =	shalt  }
0x7c: {  	_ =	shalt  }
0x7d: {  	_ =	shalt  }
0x7e: {  	_ =	shalt  }
0x7f: {  	_ =	shalt  }
0x80: {  	_ =	shalt  }
0x81: {  	_ =	shalt  }
0x82: {  	_ =	shalt  }
0x83: {  	_ =	shalt  }
0x84: {  	_ =	shalt  }
0x85: {  	_ =	shalt  }
0x86: {  	_ =	shalt  }
0x87: {  	_ =	shalt  }
.Lfunc_end0:
.L_simem_size_0:
called_computation_lowered:
.L_overlay_start_0:
0x88: {  	s2 =	sld [smem:$0x3FD9]  }
0x89: {  	s3 =	sld [smem:$0x3FFE];
	_ =	sdelay $0x1  }
0x8a: {  	s1 =	srdreg.scid  }
0x8b: {  	s0 =	sand.u32 $0x1, s1  }
0x8c: {  	s17 =	sshll.u32 s0, $0xA;
	s2 =	sadd.s32 s3, s2  }
0x8d: {  	s2 =	sadd.s32 s2, s17  }
0x8e: {  	[smem:$0x3FC4] =	sst s2  }
0x8f: {  	_ = 	snop  }
0x90: {  	s2 =	sld [smem:$0x3FD0];
	(tm) =	ssettm $0x1  }
0x91: {  	s18 =	sld [smem:$0x3FFB];
	_ =	sdelay $0x3  }
0x92: {  	_ =	strace s18  }
0x93: {  	s3 =	sld [smem:$0x3FFC];
	_ =	sdelay $0x3  }
0x94: {  	_ =	strace s3  }
0x95: {  	s3 =	sld [smem:$0x3FFD];
	_ =	sdelay $0x3  }
0x96: {  	_ =	strace s3  }
0x97: {  	_ =	strace $0x8FFFFFFF  }
0x98: {  	s19 =	sld [smem:$0x3FDB];
	_ =	sdelay $0x1  }
0x99: {  	s4 =	simm.s32 $_scs_section_size  }
0x9a: {  	s5 =	simm.s32 $_size__tile_overlayer_lowered;
	s6 =	simm.s32 $_tile_overlayer_lowered  }
0x9b: {  	s22 =	simm.s32 $0x1BFF;
	s21 =	sshll.u32 s6, $0x1;
	s3 =	sadd.s32 s4, s19  }
0x9c: {  	s7 =	simm.s32 $0x0;
	s20 =	sshll.u32 s5, $0x1;
	s5 =	sadd.s32 s21, s3  }
0x9d: {  	[timem:s7], [sflag:s22] =	dma.local [hbm:s5], s20  }
0x9e: {  	_ =	swait.ge [sflag:s22], s20  }
0x9f: {  	s4 =	ssub.s32 $0x0, s20;
	[sflag:s22] =	ssyncset.done $0x0  }
0xa0: {  	[sflag:s22] =	ssyncadd.s32 s4;
	_ =	sdelay $0x1  }
0xa1: {  	s23 =	simm.s32 $0x1B8B  }
0xa2: {  	_ =	swait.ge [sflag:s23], $0x1  }
0xa3: {  	[sflag:s23] =	ssyncset.done $0x0  }
0xa4: {  	s25 =	simm.s32 $0x1B8E;
	s24 =	sld [smem:$0x3FFE];
	[sflag:s23] =	ssyncadd.s32 $0xFFFFFFFF  }
0xa5: {  	s26 =	simm.s32 $execute0_lowered;
	[smem:$0x3FD2] =	sst s25  }
0xa6: {  	s5 =	sshll.u32 s26, $0x1;
	_ =	strace $0x80000046;
	[dreg:$0x1] =	wrdreg $0xFFFFFFFF  }
0xa7: {  	s28 =	simm.s32 $_size_execute0_lowered;
	s3 =	sadd.s32 s3, s5;
	[dreg:$0x0] =	wrdreg $0x0  }
0xa8: {  	s5 =	sshll.u32 s28, $0x1;
	[dreg:$0x2] =	wrdreg s3  }
0xa9: {  	[dreg:$0x3] =	wrdreg s5  }
0xaa: {  	[dreg:$0x4] =	wrdreg $0xC0  }
0xab: {  	_ =	task [dreg:s7], $0x5FFFF  }
0xac: {  	[dreg:$0x1] =	wrdreg $0xFFFFFFFF  }
0xad: {  	[dreg:$0x0] =	wrdreg $0x60  }
0xae: {  	[dreg:$0x2] =	wrdreg s24  }
0xaf: {  	[dreg:$0x3] =	wrdreg s2  }
0xb0: {  	[dreg:$0x4] =	wrdreg $0x9  }
0xb1: {  	_ =	task.clear_ibuf [dreg:s7], $0x5FFFF;
	_ =	strace $0x90000046  }
0xb2: {  	s29 =	simm.s32 $0x9;
	_ =	strace $0x80000048  }
0xb3: {  	_ =	swait.ge [sflag:s29], $0x1  }
0xb4: {  	[sflag:s29] =	ssyncadd.s32 $0xFFFFFFFF  }
0xb5: {  	_ =	strace $0x90000048  }
0xb6: {  	_ =	sfence  }
0xb7: {  	s30 =	sld [smem:$0x0];
	_ =	sdelay $0x2  }
0xb8: {  	s31 =	sshll.u32 s1, $0xD;
	s1 =	sshrl.u32 s1, $0x2  }
0xb9: {  	s3 =	sand.u32 $0x4000, s31;
	s1 =	sadd.s32 s1, s30  }
0xba: {  	s0 =	sor.u32 s3, s0;
	s1 =	sshll.u32 s1, $0x11  }
0xbb: {  	s0 =	sor.u32 s1, s0  }
0xbc: {  	s0 =	sadd.s32 $0x8F2B, s0  }
0xbd: {  	[sflag:s0] =	ssyncadd.remote.s32 $0x1  }
0xbe: {  	_ =	sfence.sel $0xFFFF  }
0xbf: {  	[dreg:$0x0] =	wrdreg $0xFFFFFFFF;
	(pc) =	sbr.abs _section_cstart, $3  }
0xc0: {  	[dreg:$0x1] =	wrdreg $0xFFFFFFFF  }
0xc1: {  	_ =	task.clear_ibuf [dreg:s7], $0x2FFFF;
	_ =	strace $0x9FFFFFFF  }
0xc2: {  	(tm) =	ssettm $0x7FFFFFFF  }
0xc3: {  	_ =	shalt  }
tec
execute0_lowered:
.L_overlay_start_1:
0x0: {  	(tag) =	ssettag $0x1  }
0x1: {  	s0 =	rddreg [dreg:$0x0]  }
0x2: {  	s1 =	srdreg.scid;
	s2 =	stileid.u32  }
0x3: {  	s3 =	simm.s32 $0x0;
	s9 =	simm.s32 $0x9;
	s10 =	simm.s32 $0xC8  }
0x4: {  	s15 =	simm.s32 $0x258;
	s16 =	simm.s32 $0x8980;
	s17 =	simm.s32 $0x320  }
0x5: {  	s18 =	simm.s32 $0x9600;
	s19 =	simm.s32 $0x3E8;
	s20 =	simm.s32 $0xA280  }
0x6: {  	s21 =	simm.s32 $0x4B0;
	s22 =	simm.s32 $0xAF00;
	s23 =	simm.s32 $0x1  }
0x7: {  	s24 =	simm.s32 $0xBB80;
	s25 =	simm.s32 $0x2;
	s28 =	simm.s32 $0x4  }
0x8: {  	s29 =	simm.s32 $0x5;
	s30 =	simm.s32 $0x6;
	s31 =	simm.s32 $0x7  }
0x9: {  	s1 =	sand.u32 $0x1, s1;
	s2 =	sshll.u32 s2, $0x8;
	[smem:$0x7FF] =	sst s3  }
0xa: {  	s4 =	sshll.u32 s1, $0x7;
	_ =	strace $0x80000047;
	s1 =	ssub.s32 $0x2, s1  }
0xb: {  	s2 =	sor.u32 s4, s2;
	s4 =	sadd.s32 $0x19200, s0;
	s26 =	sshrl.u32 s1, $0x1  }
0xc: {  	s5 =	smul.u32 $0x19, s2;
	s2 =	sshll.u32 s2, $0x1;
	s1 =	ssub.s32 s1, s26  }
0xd: {  	s26 =	simm.s32 $0x3;
	s7 =	smax.u32 s1, $0x1;
	s1 =	simm.s32 $0xC800  }
0xe: {  	s5 =	sadd.s32 s5, s0;
	s0 =	sadd.s32 s2, s0;
	s2 =	simm.s32 $0x0  }
0xf: {  	s5 =	sadd.s32 $0x200, s5;
	s6 =	sadd.s32 $0x4A000, s0;
	s0 =	simm.s32 $0x8  }
.LBB2_1:
0x10: {  	s8 =	rddreg [dreg:$0x1];
	s11 =	simm.s32 $0xC880  }
0x11: {  	[tilespmem:s11], [sflag:$0x9] =	stream.linear.gather [hbm4b:s8+s3], $0x10, $0x38;
	[tilespmem:$0xC890] =	vst v63  }
0x12: {  	_ =	swait.ge [sflag:s9], $0x10  }
0x13: {  	[sflag:s9] =	ssyncset.done $0x0  }
0x14: {  	[sflag:s9] =	ssyncadd.s32 $0xFFFFFFF0  }
0x15: {  	v0 =	vld [tilespmem:$0xC880];
	[tilespmem:s3], [sflag:$0x9] =	stream.linear.gather [hbm4b:s5+s3], $0x6400, $0x38  }
0x16: {  	_ =	swait.ge [sflag:s9], $0x6400  }
0x17: {  	[sflag:s9] =	ssyncset.done $0x0  }
0x18: {  	s11 =	simm.s32 $0x6400;
	[sflag:s9] =	ssyncadd.s32 $0xFFFF9C00  }
0x19: {  	[tilespmem:s11], [sflag:$0x1] =	stream.indirect.gather [hbm4b:s4+s10], $0x10, s3, s10, $0xb8;
	[tilespmem:$0xC890] =	vst v63  }
0x1a: {  	s12 =	simm.s32 $0x7080  }
0x1b: {  	[tilespmem:s12], [sflag:$0x2] =	stream.indirect.gather [hbm4b:s4+s10], $0x10, s10, s10, $0xb8;
	[tilespmem:$0xC890] =	vst v63  }
0x1c: {  	s13 =	simm.s32 $0x190;
	s14 =	simm.s32 $0x7D00  }
0x1d: {  	[tilespmem:s14], [sflag:$0x3] =	stream.indirect.gather [hbm4b:s4+s10], $0x10, s13, s10, $0xb8;
	[tilespmem:$0xC890] =	vst v63  }
0x1e: {  	_ = 	snop  }
0x1f: {  	[tilespmem:s16], [sflag:$0x4] =	stream.indirect.gather [hbm4b:s4+s10], $0x10, s15, s10, $0xb8;
	[tilespmem:$0xC890] =	vst v63  }
0x20: {  	_ = 	snop  }
0x21: {  	[tilespmem:s18], [sflag:$0x5] =	stream.indirect.gather [hbm4b:s4+s10], $0x10, s17, s10, $0xb8;
	[tilespmem:$0xC890] =	vst v63  }
0x22: {  	_ = 	snop  }
0x23: {  	[tilespmem:s20], [sflag:$0x6] =	stream.indirect.gather [hbm4b:s4+s10], $0x10, s19, s10, $0xb8;
	[tilespmem:$0xC890] =	vst v63  }
0x24: {  	s8 =	simm.s32 $0x0  }
0x25: {  	[tilespmem:s22], [sflag:$0x7] =	stream.indirect.gather [hbm4b:s4+s10], $0x10, s21, s10, $0xb8;
	[tilespmem:$0xC890] =	vst v63  }
.LBB2_2:
0x26: {  	s11 =	smul.u32 $0x1900, s8  }
0x27: {  	_ =	swait.ge [sflag:s23], $0xC80  }
0x28: {  	[sflag:s23] =	ssyncset.done $0x0;
	s11 =	sshra.s32 s11, $0x2  }
0x29: {  	s13 =	simm.s32 $0x0;
	[sflag:s23] =	ssyncadd.s32 $0xFFFFF380;
	s12 =	sadd.s32 $0x578, s11  }
0x2a: {  	[tilespmem:s24], [sflag:$0x8] =	stream.indirect.gather [hbm4b:s4+s10], $0x10, s12, s10, $0xb8;
	[tilespmem:$0xC890] =	vst v63  }
0x2b: {  	v2 =	vld [tilespmem:s13+$0x6400]  }
0x2c: {  	v3 =	vld [tilespmem:s13+$0x6410]  }
0x2d: {  	v6 =	vld [tilespmem:s13+$0x6420]  }
0x2e: {  	v7 =	vld [tilespmem:s13+$0x6430]  }
0x2f: {  	v9 =	vld [tilespmem:s13+$0x6440]  }
0x30: {  	v10 =	vld [tilespmem:s13+$0x6450]  }
0x31: {  	v11 =	vld [tilespmem:s13+$0x6460]  }
0x32: {  	s12 =	simm.s32 $0x80;
	v12 =	vld [tilespmem:s13+$0x6470]  }
0x33: {  	v5 =	vld [tilespmem:s12+$0x6400]  }
0x34: {  	v8 =	vld [tilespmem:s12+$0x6410]  }
0x35: {  	v4 =	vld [tilespmem:s12+$0x6420];
	v3 =	vadd.f32 v3, v2  }
0x36: {  	v1 =	vld [tilespmem:s12+$0x6430];
	v13 =	vadd.f32 v7, v6  }
0x37: {  	v2 =	vld [tilespmem:s12+$0x6440];
	v10 =	vadd.f32 v10, v9;
	v11 =	vadd.f32 v12, v11  }
0x38: {  	v6 =	vld [tilespmem:s12+$0x6450]  }
0x39: {  	s13 =	simm.s32 $0x400;
	v7 =	vld [tilespmem:s12+$0x6460];
	v9 =	vadd.f32 v13, v3;
	v10 =	vadd.f32 v11, v10;
	v3 =	vmov v0  }
.LBB2_3:
0x3a: {  	p0 =	sne.s32 s13, $0x3000;
	v11 =	vld [tilespmem:s12+$0x6470];
	s12 =	sshra.s32 s13, $0x2;
	v12 =	vmov v4  }
0x3b: {  	v13 =	vld [tilespmem:s12+$0x6400];
	v9 =	vadd.f32 v10, v9  }
0x3c: {  	v14 =	vld [tilespmem:s12+$0x6410]  }
.Ltmp0:
0x3d: {  	v4 =	vld [tilespmem:s12+$0x6420];
	v3 =	vadd.f32 v9, v3;
	(pc) =	sbr.rel @p0 .LBB2_3-.Ltmp0, $4  }
0x3e: {  	v15 =	vadd.f32 v8, v5;
	v9 =	vadd.f32 v1, v12;
	v1 =	vld [tilespmem:s12+$0x6430]  }
0x3f: {  	v10 =	vadd.f32 v6, v2;
	v2 =	vld [tilespmem:s12+$0x6440];
	v11 =	vadd.f32 v11, v7  }
0x40: {  	v6 =	vld [tilespmem:s12+$0x6450];
	v5 =	vmov v13  }
0x41: {  	s13 =	sadd.s32 $0x200, s13;
	v9 =	vadd.f32 v9, v15;
	v7 =	vld [tilespmem:s12+$0x6460];
	v10 =	vadd.f32 v11, v10;
	v8 =	vmov v14  }
0x42: {  	v11 =	vld [tilespmem:s12+$0x6470];
	_ =	sdelay $0x3  }
0x43: {  	v5 =	vadd.f32 v8, v5;
	v1 =	vadd.f32 v1, v4  }
0x44: {  	v2 =	vadd.f32 v6, v2;
	v4 =	vadd.f32 v11, v7  }
0x45: {  	v6 =	vadd.f32 v10, v9  }
0x46: {  	v1 =	vadd.f32 v1, v5;
	v2 =	vadd.f32 v4, v2;
	_ =	sdelay $0x1  }
0x47: {  	v3 =	vadd.f32 v6, v3;
	v1 =	vadd.f32 v2, v1;
	_ =	sdelay $0x1  }
0x48: {  	v1 =	vadd.f32 v1, v3;
	_ =	sdelay $0x1  }
0x49: {  	[tilespmem:$0xC800] =	vst v1  }
0x4a: {  	p0 =	seq.s32 s8, $0xF;
	_ =	swait.ge [sflag:s25], $0xC80  }
0x4b: {  	s12 =	sadd.s32 @!p0 $0x640, s11;
	[sflag:s25] =	ssyncset.done $0x0  }
0x4c: {  	s13 =	simm.s32 @!p0 $0xC8;
	s14 =	simm.s32 @!p0 $0x6400;
	[sflag:s25] =	ssyncadd.s32 $0xFFFFF380  }
0x4d: {  	[tilespmem:s14], [sflag:$0x1] =	stream.indirect.gather @!p0 [hbm4b:s4+s13], $0x10, s12, s13, $0xb8;
	[tilespmem:$0xC890] =	vst v63  }
0x4e: {  	s14 =	simm.s32 $0x0  }
0x4f: {  	v2 =	vld [tilespmem:s14+$0x7080]  }
0x50: {  	v3 =	vld [tilespmem:s14+$0x7090]  }
0x51: {  	v6 =	vld [tilespmem:s14+$0x70A0]  }
0x52: {  	v7 =	vld [tilespmem:s14+$0x70B0]  }
0x53: {  	v9 =	vld [tilespmem:s14+$0x70C0]  }
0x54: {  	v10 =	vld [tilespmem:s14+$0x70D0]  }
0x55: {  	v11 =	vld [tilespmem:s14+$0x70E0]  }
0x56: {  	s12 =	simm.s32 $0x80;
	v12 =	vld [tilespmem:s14+$0x70F0]  }
0x57: {  	v5 =	vld [tilespmem:s12+$0x7080]  }
0x58: {  	v8 =	vld [tilespmem:s12+$0x7090]  }
0x59: {  	v4 =	vld [tilespmem:s12+$0x70A0];
	v3 =	vadd.f32 v3, v2  }
0x5a: {  	v1 =	vld [tilespmem:s12+$0x70B0];
	v13 =	vadd.f32 v7, v6  }
0x5b: {  	v2 =	vld [tilespmem:s12+$0x70C0];
	v10 =	vadd.f32 v10, v9;
	v11 =	vadd.f32 v12, v11  }
0x5c: {  	v6 =	vld [tilespmem:s12+$0x70D0]  }
0x5d: {  	s13 =	simm.s32 $0x400;
	v7 =	vld [tilespmem:s12+$0x70E0];
	v9 =	vadd.f32 v13, v3;
	v10 =	vadd.f32 v11, v10;
	v3 =	vmov v0  }
.LBB2_5:
0x5e: {  	p1 =	sne.s32 s13, $0x3000;
	v11 =	vld [tilespmem:s12+$0x70F0];
	s12 =	sshra.s32 s13, $0x2;
	v12 =	vmov v4  }
0x5f: {  	v13 =	vld [tilespmem:s12+$0x7080];
	v9 =	vadd.f32 v10, v9  }
0x60: {  	v14 =	vld [tilespmem:s12+$0x7090]  }
.Ltmp1:
0x61: {  	v4 =	vld [tilespmem:s12+$0x70A0];
	v3 =	vadd.f32 v9, v3;
	(pc) =	sbr.rel @p1 .LBB2_5-.Ltmp1, $4  }
0x62: {  	v15 =	vadd.f32 v8, v5;
	v9 =	vadd.f32 v1, v12;
	v1 =	vld [tilespmem:s12+$0x70B0]  }
0x63: {  	v10 =	vadd.f32 v6, v2;
	v2 =	vld [tilespmem:s12+$0x70C0];
	v11 =	vadd.f32 v11, v7  }
0x64: {  	v6 =	vld [tilespmem:s12+$0x70D0];
	v5 =	vmov v13  }
0x65: {  	s13 =	sadd.s32 $0x200, s13;
	v9 =	vadd.f32 v9, v15;
	v7 =	vld [tilespmem:s12+$0x70E0];
	v10 =	vadd.f32 v11, v10;
	v8 =	vmov v14  }
0x66: {  	v11 =	vld [tilespmem:s12+$0x70F0];
	_ =	sdelay $0x3  }
0x67: {  	v5 =	vadd.f32 v8, v5;
	v1 =	vadd.f32 v1, v4  }
0x68: {  	v2 =	vadd.f32 v6, v2;
	v4 =	vadd.f32 v11, v7  }
0x69: {  	v6 =	vadd.f32 v10, v9  }
0x6a: {  	v1 =	vadd.f32 v1, v5;
	v2 =	vadd.f32 v4, v2;
	_ =	sdelay $0x1  }
0x6b: {  	v3 =	vadd.f32 v6, v3;
	v1 =	vadd.f32 v2, v1;
	_ =	sdelay $0x1  }
0x6c: {  	v1 =	vadd.f32 v1, v3;
	_ =	sdelay $0x1  }
0x6d: {  	[tilespmem:$0xC810] =	vst v1  }
0x6e: {  	_ =	swait.ge [sflag:s26], $0xC80  }
0x6f: {  	s12 =	sadd.s32 @!p0 $0x708, s11;
	[sflag:s26] =	ssyncset.done $0x0  }
0x70: {  	s13 =	simm.s32 @!p0 $0xC8;
	s14 =	simm.s32 @!p0 $0x7080;
	[sflag:s26] =	ssyncadd.s32 $0xFFFFF380  }
0x71: {  	[tilespmem:s14], [sflag:$0x2] =	stream.indirect.gather @!p0 [hbm4b:s4+s13], $0x10, s12, s13, $0xb8;
	[tilespmem:$0xC890] =	vst v63  }
0x72: {  	s14 =	simm.s32 $0x0  }
0x73: {  	v2 =	vld [tilespmem:s14+$0x7D00]  }
0x74: {  	v3 =	vld [tilespmem:s14+$0x7D10]  }
0x75: {  	v6 =	vld [tilespmem:s14+$0x7D20]  }
0x76: {  	v7 =	vld [tilespmem:s14+$0x7D30]  }
0x77: {  	v9 =	vld [tilespmem:s14+$0x7D40]  }
0x78: {  	v10 =	vld [tilespmem:s14+$0x7D50]  }
0x79: {  	v11 =	vld [tilespmem:s14+$0x7D60]  }
0x7a: {  	s12 =	simm.s32 $0x80;
	v12 =	vld [tilespmem:s14+$0x7D70]  }
0x7b: {  	v5 =	vld [tilespmem:s12+$0x7D00]  }
0x7c: {  	v8 =	vld [tilespmem:s12+$0x7D10]  }
0x7d: {  	v4 =	vld [tilespmem:s12+$0x7D20];
	v3 =	vadd.f32 v3, v2  }
0x7e: {  	v1 =	vld [tilespmem:s12+$0x7D30];
	v13 =	vadd.f32 v7, v6  }
0x7f: {  	v2 =	vld [tilespmem:s12+$0x7D40];
	v10 =	vadd.f32 v10, v9;
	v11 =	vadd.f32 v12, v11  }
0x80: {  	v6 =	vld [tilespmem:s12+$0x7D50]  }
0x81: {  	s13 =	simm.s32 $0x400;
	v7 =	vld [tilespmem:s12+$0x7D60];
	v9 =	vadd.f32 v13, v3;
	v10 =	vadd.f32 v11, v10;
	v3 =	vmov v0  }
.LBB2_7:
0x82: {  	p1 =	sne.s32 s13, $0x3000;
	v11 =	vld [tilespmem:s12+$0x7D70];
	s12 =	sshra.s32 s13, $0x2;
	v12 =	vmov v4  }
0x83: {  	v13 =	vld [tilespmem:s12+$0x7D00];
	v9 =	vadd.f32 v10, v9  }
0x84: {  	v14 =	vld [tilespmem:s12+$0x7D10]  }
.Ltmp2:
0x85: {  	v4 =	vld [tilespmem:s12+$0x7D20];
	v3 =	vadd.f32 v9, v3;
	(pc) =	sbr.rel @p1 .LBB2_7-.Ltmp2, $4  }
0x86: {  	v15 =	vadd.f32 v8, v5;
	v9 =	vadd.f32 v1, v12;
	v1 =	vld [tilespmem:s12+$0x7D30]  }
0x87: {  	v10 =	vadd.f32 v6, v2;
	v2 =	vld [tilespmem:s12+$0x7D40];
	v11 =	vadd.f32 v11, v7  }
0x88: {  	v6 =	vld [tilespmem:s12+$0x7D50];
	v5 =	vmov v13  }
0x89: {  	s13 =	sadd.s32 $0x200, s13;
	v9 =	vadd.f32 v9, v15;
	v7 =	vld [tilespmem:s12+$0x7D60];
	v10 =	vadd.f32 v11, v10;
	v8 =	vmov v14  }
0x8a: {  	v11 =	vld [tilespmem:s12+$0x7D70];
	_ =	sdelay $0x3  }
0x8b: {  	v5 =	vadd.f32 v8, v5;
	v1 =	vadd.f32 v1, v4  }
0x8c: {  	v2 =	vadd.f32 v6, v2;
	v4 =	vadd.f32 v11, v7  }
0x8d: {  	v6 =	vadd.f32 v10, v9  }
0x8e: {  	v1 =	vadd.f32 v1, v5;
	v2 =	vadd.f32 v4, v2;
	_ =	sdelay $0x1  }
0x8f: {  	v3 =	vadd.f32 v6, v3;
	v1 =	vadd.f32 v2, v1;
	_ =	sdelay $0x1  }
0x90: {  	v1 =	vadd.f32 v1, v3;
	_ =	sdelay $0x1  }
0x91: {  	[tilespmem:$0xC820] =	vst v1  }
0x92: {  	_ =	swait.ge [sflag:s28], $0xC80  }
0x93: {  	s12 =	sadd.s32 @!p0 $0x7D0, s11;
	[sflag:s28] =	ssyncset.done $0x0  }
0x94: {  	s13 =	simm.s32 @!p0 $0xC8;
	s14 =	simm.s32 @!p0 $0x7D00;
	[sflag:s28] =	ssyncadd.s32 $0xFFFFF380  }
0x95: {  	[tilespmem:s14], [sflag:$0x3] =	stream.indirect.gather @!p0 [hbm4b:s4+s13], $0x10, s12, s13, $0xb8;
	[tilespmem:$0xC890] =	vst v63  }
0x96: {  	s14 =	simm.s32 $0x0  }
0x97: {  	v2 =	vld [tilespmem:s14+$0x8980]  }
0x98: {  	v3 =	vld [tilespmem:s14+$0x8990]  }
0x99: {  	v6 =	vld [tilespmem:s14+$0x89A0]  }
0x9a: {  	v7 =	vld [tilespmem:s14+$0x89B0]  }
0x9b: {  	v9 =	vld [tilespmem:s14+$0x89C0]  }
0x9c: {  	v10 =	vld [tilespmem:s14+$0x89D0]  }
0x9d: {  	v11 =	vld [tilespmem:s14+$0x89E0]  }
0x9e: {  	s12 =	simm.s32 $0x80;
	v12 =	vld [tilespmem:s14+$0x89F0]  }
0x9f: {  	v5 =	vld [tilespmem:s12+$0x8980]  }
0xa0: {  	v8 =	vld [tilespmem:s12+$0x8990]  }
0xa1: {  	v4 =	vld [tilespmem:s12+$0x89A0];
	v3 =	vadd.f32 v3, v2  }
0xa2: {  	v1 =	vld [tilespmem:s12+$0x89B0];
	v13 =	vadd.f32 v7, v6  }
0xa3: {  	v2 =	vld [tilespmem:s12+$0x89C0];
	v10 =	vadd.f32 v10, v9;
	v11 =	vadd.f32 v12, v11  }
0xa4: {  	v6 =	vld [tilespmem:s12+$0x89D0]  }
0xa5: {  	s13 =	simm.s32 $0x400;
	v7 =	vld [tilespmem:s12+$0x89E0];
	v9 =	vadd.f32 v13, v3;
	v10 =	vadd.f32 v11, v10;
	v3 =	vmov v0  }
.LBB2_9:
0xa6: {  	p1 =	sne.s32 s13, $0x3000;
	v11 =	vld [tilespmem:s12+$0x89F0];
	s12 =	sshra.s32 s13, $0x2;
	v12 =	vmov v4  }
0xa7: {  	v13 =	vld [tilespmem:s12+$0x8980];
	v9 =	vadd.f32 v10, v9  }
0xa8: {  	v14 =	vld [tilespmem:s12+$0x8990]  }
.Ltmp3:
0xa9: {  	v4 =	vld [tilespmem:s12+$0x89A0];
	v3 =	vadd.f32 v9, v3;
	(pc) =	sbr.rel @p1 .LBB2_9-.Ltmp3, $4  }
0xaa: {  	v15 =	vadd.f32 v8, v5;
	v9 =	vadd.f32 v1, v12;
	v1 =	vld [tilespmem:s12+$0x89B0]  }
0xab: {  	v10 =	vadd.f32 v6, v2;
	v2 =	vld [tilespmem:s12+$0x89C0];
	v11 =	vadd.f32 v11, v7  }
0xac: {  	v6 =	vld [tilespmem:s12+$0x89D0];
	v5 =	vmov v13  }
0xad: {  	s13 =	sadd.s32 $0x200, s13;
	v9 =	vadd.f32 v9, v15;
	v7 =	vld [tilespmem:s12+$0x89E0];
	v10 =	vadd.f32 v11, v10;
	v8 =	vmov v14  }
0xae: {  	v11 =	vld [tilespmem:s12+$0x89F0];
	_ =	sdelay $0x3  }
0xaf: {  	v5 =	vadd.f32 v8, v5;
	v1 =	vadd.f32 v1, v4  }
0xb0: {  	v2 =	vadd.f32 v6, v2;
	v4 =	vadd.f32 v11, v7  }
0xb1: {  	v6 =	vadd.f32 v10, v9  }
0xb2: {  	v1 =	vadd.f32 v1, v5;
	v2 =	vadd.f32 v4, v2;
	_ =	sdelay $0x1  }
0xb3: {  	v3 =	vadd.f32 v6, v3;
	v1 =	vadd.f32 v2, v1;
	_ =	sdelay $0x1  }
0xb4: {  	v1 =	vadd.f32 v1, v3;
	_ =	sdelay $0x1  }
0xb5: {  	[tilespmem:$0xC830] =	vst v1  }
0xb6: {  	_ =	swait.ge [sflag:s29], $0xC80  }
0xb7: {  	s12 =	sadd.s32 @!p0 $0x898, s11;
	[sflag:s29] =	ssyncset.done $0x0  }
0xb8: {  	s13 =	simm.s32 @!p0 $0xC8;
	s14 =	simm.s32 @!p0 $0x8980;
	[sflag:s29] =	ssyncadd.s32 $0xFFFFF380  }
0xb9: {  	[tilespmem:s14], [sflag:$0x4] =	stream.indirect.gather @!p0 [hbm4b:s4+s13], $0x10, s12, s13, $0xb8;
	[tilespmem:$0xC890] =	vst v63  }
0xba: {  	s14 =	simm.s32 $0x0  }
0xbb: {  	v2 =	vld [tilespmem:s14+$0x9600]  }
0xbc: {  	v3 =	vld [tilespmem:s14+$0x9610]  }
0xbd: {  	v6 =	vld [tilespmem:s14+$0x9620]  }
0xbe: {  	v7 =	vld [tilespmem:s14+$0x9630]  }
0xbf: {  	v9 =	vld [tilespmem:s14+$0x9640]  }
0xc0: {  	v10 =	vld [tilespmem:s14+$0x9650]  }
0xc1: {  	v11 =	vld [tilespmem:s14+$0x9660]  }
0xc2: {  	s12 =	simm.s32 $0x80;
	v12 =	vld [tilespmem:s14+$0x9670]  }
0xc3: {  	v5 =	vld [tilespmem:s12+$0x9600]  }
0xc4: {  	v8 =	vld [tilespmem:s12+$0x9610]  }
0xc5: {  	v4 =	vld [tilespmem:s12+$0x9620];
	v3 =	vadd.f32 v3, v2  }
0xc6: {  	v1 =	vld [tilespmem:s12+$0x9630];
	v13 =	vadd.f32 v7, v6  }
0xc7: {  	v2 =	vld [tilespmem:s12+$0x9640];
	v10 =	vadd.f32 v10, v9;
	v11 =	vadd.f32 v12, v11  }
0xc8: {  	v6 =	vld [tilespmem:s12+$0x9650]  }
0xc9: {  	s13 =	simm.s32 $0x400;
	v7 =	vld [tilespmem:s12+$0x9660];
	v9 =	vadd.f32 v13, v3;
	v10 =	vadd.f32 v11, v10;
	v3 =	vmov v0  }
.LBB2_11:
0xca: {  	p1 =	sne.s32 s13, $0x3000;
	v11 =	vld [tilespmem:s12+$0x9670];
	s12 =	sshra.s32 s13, $0x2;
	v12 =	vmov v4  }
0xcb: {  	v13 =	vld [tilespmem:s12+$0x9600];
	v9 =	vadd.f32 v10, v9  }
0xcc: {  	v14 =	vld [tilespmem:s12+$0x9610]  }
.Ltmp4:
0xcd: {  	v4 =	vld [tilespmem:s12+$0x9620];
	v3 =	vadd.f32 v9, v3;
	(pc) =	sbr.rel @p1 .LBB2_11-.Ltmp4, $4  }
0xce: {  	v15 =	vadd.f32 v8, v5;
	v9 =	vadd.f32 v1, v12;
	v1 =	vld [tilespmem:s12+$0x9630]  }
0xcf: {  	v10 =	vadd.f32 v6, v2;
	v2 =	vld [tilespmem:s12+$0x9640];
	v11 =	vadd.f32 v11, v7  }
0xd0: {  	v6 =	vld [tilespmem:s12+$0x9650];
	v5 =	vmov v13  }
0xd1: {  	s13 =	sadd.s32 $0x200, s13;
	v9 =	vadd.f32 v9, v15;
	v7 =	vld [tilespmem:s12+$0x9660];
	v10 =	vadd.f32 v11, v10;
	v8 =	vmov v14  }
0xd2: {  	v11 =	vld [tilespmem:s12+$0x9670];
	_ =	sdelay $0x3  }
0xd3: {  	v5 =	vadd.f32 v8, v5;
	v1 =	vadd.f32 v1, v4  }
0xd4: {  	v2 =	vadd.f32 v6, v2;
	v4 =	vadd.f32 v11, v7  }
0xd5: {  	v6 =	vadd.f32 v10, v9  }
0xd6: {  	v1 =	vadd.f32 v1, v5;
	v2 =	vadd.f32 v4, v2;
	_ =	sdelay $0x1  }
0xd7: {  	v3 =	vadd.f32 v6, v3;
	v1 =	vadd.f32 v2, v1;
	_ =	sdelay $0x1  }
0xd8: {  	v1 =	vadd.f32 v1, v3;
	_ =	sdelay $0x1  }
0xd9: {  	[tilespmem:$0xC840] =	vst v1  }
0xda: {  	_ =	swait.ge [sflag:s30], $0xC80  }
0xdb: {  	s12 =	sadd.s32 @!p0 $0x960, s11;
	[sflag:s30] =	ssyncset.done $0x0  }
0xdc: {  	s13 =	simm.s32 @!p0 $0xC8;
	s14 =	simm.s32 @!p0 $0x9600;
	[sflag:s30] =	ssyncadd.s32 $0xFFFFF380  }
0xdd: {  	[tilespmem:s14], [sflag:$0x5] =	stream.indirect.gather @!p0 [hbm4b:s4+s13], $0x10, s12, s13, $0xb8;
	[tilespmem:$0xC890] =	vst v63  }
0xde: {  	s14 =	simm.s32 $0x0  }
0xdf: {  	v2 =	vld [tilespmem:s14+$0xA280]  }
0xe0: {  	v3 =	vld [tilespmem:s14+$0xA290]  }
0xe1: {  	v6 =	vld [tilespmem:s14+$0xA2A0]  }
0xe2: {  	v7 =	vld [tilespmem:s14+$0xA2B0]  }
0xe3: {  	v9 =	vld [tilespmem:s14+$0xA2C0]  }
0xe4: {  	v10 =	vld [tilespmem:s14+$0xA2D0]  }
0xe5: {  	v11 =	vld [tilespmem:s14+$0xA2E0]  }
0xe6: {  	s12 =	simm.s32 $0x80;
	v12 =	vld [tilespmem:s14+$0xA2F0]  }
0xe7: {  	v5 =	vld [tilespmem:s12+$0xA280]  }
0xe8: {  	v8 =	vld [tilespmem:s12+$0xA290]  }
0xe9: {  	v4 =	vld [tilespmem:s12+$0xA2A0];
	v3 =	vadd.f32 v3, v2  }
0xea: {  	v1 =	vld [tilespmem:s12+$0xA2B0];
	v13 =	vadd.f32 v7, v6  }
0xeb: {  	v2 =	vld [tilespmem:s12+$0xA2C0];
	v10 =	vadd.f32 v10, v9;
	v11 =	vadd.f32 v12, v11  }
0xec: {  	v6 =	vld [tilespmem:s12+$0xA2D0]  }
0xed: {  	s13 =	simm.s32 $0x400;
	v7 =	vld [tilespmem:s12+$0xA2E0];
	v9 =	vadd.f32 v13, v3;
	v10 =	vadd.f32 v11, v10;
	v3 =	vmov v0  }
.LBB2_13:
0xee: {  	p1 =	sne.s32 s13, $0x3000;
	v11 =	vld [tilespmem:s12+$0xA2F0];
	s12 =	sshra.s32 s13, $0x2;
	v12 =	vmov v4  }
0xef: {  	v13 =	vld [tilespmem:s12+$0xA280];
	v9 =	vadd.f32 v10, v9  }
0xf0: {  	v14 =	vld [tilespmem:s12+$0xA290]  }
.Ltmp5:
0xf1: {  	v4 =	vld [tilespmem:s12+$0xA2A0];
	v3 =	vadd.f32 v9, v3;
	(pc) =	sbr.rel @p1 .LBB2_13-.Ltmp5, $4  }
0xf2: {  	v15 =	vadd.f32 v8, v5;
	v9 =	vadd.f32 v1, v12;
	v1 =	vld [tilespmem:s12+$0xA2B0]  }
0xf3: {  	v10 =	vadd.f32 v6, v2;
	v2 =	vld [tilespmem:s12+$0xA2C0];
	v11 =	vadd.f32 v11, v7  }
0xf4: {  	v6 =	vld [tilespmem:s12+$0xA2D0];
	v5 =	vmov v13  }
0xf5: {  	s13 =	sadd.s32 $0x200, s13;
	v9 =	vadd.f32 v9, v15;
	v7 =	vld [tilespmem:s12+$0xA2E0];
	v10 =	vadd.f32 v11, v10;
	v8 =	vmov v14  }
0xf6: {  	v11 =	vld [tilespmem:s12+$0xA2F0];
	_ =	sdelay $0x3  }
0xf7: {  	v5 =	vadd.f32 v8, v5;
	v1 =	vadd.f32 v1, v4  }
0xf8: {  	v2 =	vadd.f32 v6, v2;
	v4 =	vadd.f32 v11, v7  }
0xf9: {  	v6 =	vadd.f32 v10, v9  }
0xfa: {  	v1 =	vadd.f32 v1, v5;
	v2 =	vadd.f32 v4, v2;
	_ =	sdelay $0x1  }
0xfb: {  	v3 =	vadd.f32 v6, v3;
	v1 =	vadd.f32 v2, v1;
	_ =	sdelay $0x1  }
0xfc: {  	v1 =	vadd.f32 v1, v3;
	_ =	sdelay $0x1  }
0xfd: {  	[tilespmem:$0xC850] =	vst v1  }
0xfe: {  	_ =	swait.ge [sflag:s31], $0xC80  }
0xff: {  	s12 =	sadd.s32 @!p0 $0xA28, s11;
	[sflag:s31] =	ssyncset.done $0x0  }
0x100: {  	s13 =	simm.s32 @!p0 $0xC8;
	s14 =	simm.s32 @!p0 $0xA280;
	[sflag:s31] =	ssyncadd.s32 $0xFFFFF380  }
0x101: {  	[tilespmem:s14], [sflag:$0x6] =	stream.indirect.gather @!p0 [hbm4b:s4+s13], $0x10, s12, s13, $0xb8;
	[tilespmem:$0xC890] =	vst v63  }
0x102: {  	s14 =	simm.s32 $0x0  }
0x103: {  	v2 =	vld [tilespmem:s14+$0xAF00]  }
0x104: {  	v3 =	vld [tilespmem:s14+$0xAF10]  }
0x105: {  	v6 =	vld [tilespmem:s14+$0xAF20]  }
0x106: {  	v7 =	vld [tilespmem:s14+$0xAF30]  }
0x107: {  	v9 =	vld [tilespmem:s14+$0xAF40]  }
0x108: {  	v10 =	vld [tilespmem:s14+$0xAF50]  }
0x109: {  	v11 =	vld [tilespmem:s14+$0xAF60]  }
0x10a: {  	s12 =	simm.s32 $0x80;
	v12 =	vld [tilespmem:s14+$0xAF70]  }
0x10b: {  	v5 =	vld [tilespmem:s12+$0xAF00]  }
0x10c: {  	v8 =	vld [tilespmem:s12+$0xAF10]  }
0x10d: {  	v4 =	vld [tilespmem:s12+$0xAF20];
	v3 =	vadd.f32 v3, v2  }
0x10e: {  	v1 =	vld [tilespmem:s12+$0xAF30];
	v13 =	vadd.f32 v7, v6  }
0x10f: {  	v2 =	vld [tilespmem:s12+$0xAF40];
	v10 =	vadd.f32 v10, v9;
	v11 =	vadd.f32 v12, v11  }
0x110: {  	v6 =	vld [tilespmem:s12+$0xAF50]  }
0x111: {  	s13 =	simm.s32 $0x400;
	v7 =	vld [tilespmem:s12+$0xAF60];
	v9 =	vadd.f32 v13, v3;
	v10 =	vadd.f32 v11, v10;
	v3 =	vmov v0  }
.LBB2_15:
0x112: {  	p1 =	sne.s32 s13, $0x3000;
	v11 =	vld [tilespmem:s12+$0xAF70];
	s12 =	sshra.s32 s13, $0x2;
	v12 =	vmov v4  }
0x113: {  	v13 =	vld [tilespmem:s12+$0xAF00];
	v9 =	vadd.f32 v10, v9  }
0x114: {  	v14 =	vld [tilespmem:s12+$0xAF10]  }
.Ltmp6:
0x115: {  	v4 =	vld [tilespmem:s12+$0xAF20];
	v3 =	vadd.f32 v9, v3;
	(pc) =	sbr.rel @p1 .LBB2_15-.Ltmp6, $4  }
0x116: {  	v15 =	vadd.f32 v8, v5;
	v9 =	vadd.f32 v1, v12;
	v1 =	vld [tilespmem:s12+$0xAF30]  }
0x117: {  	v10 =	vadd.f32 v6, v2;
	v2 =	vld [tilespmem:s12+$0xAF40];
	v11 =	vadd.f32 v11, v7  }
0x118: {  	v6 =	vld [tilespmem:s12+$0xAF50];
	v5 =	vmov v13  }
0x119: {  	s13 =	sadd.s32 $0x200, s13;
	v9 =	vadd.f32 v9, v15;
	v7 =	vld [tilespmem:s12+$0xAF60];
	v10 =	vadd.f32 v11, v10;
	v8 =	vmov v14  }
0x11a: {  	v11 =	vld [tilespmem:s12+$0xAF70];
	_ =	sdelay $0x3  }
0x11b: {  	v5 =	vadd.f32 v8, v5;
	v1 =	vadd.f32 v1, v4  }
0x11c: {  	v2 =	vadd.f32 v6, v2;
	v4 =	vadd.f32 v11, v7  }
0x11d: {  	v6 =	vadd.f32 v10, v9  }
0x11e: {  	v1 =	vadd.f32 v1, v5;
	v2 =	vadd.f32 v4, v2;
	_ =	sdelay $0x1  }
0x11f: {  	v3 =	vadd.f32 v6, v3;
	v1 =	vadd.f32 v2, v1;
	_ =	sdelay $0x1  }
0x120: {  	v1 =	vadd.f32 v1, v3;
	_ =	sdelay $0x1  }
0x121: {  	[tilespmem:$0xC860] =	vst v1  }
0x122: {  	_ =	swait.ge [sflag:s0], $0xC80  }
0x123: {  	s11 =	sadd.s32 @!p0 $0xAF0, s11;
	s12 =	simm.s32 @!p0 $0xC8;
	[sflag:s0] =	ssyncset.done $0x0  }
0x124: {  	s13 =	simm.s32 @!p0 $0xAF00;
	s14 =	simm.s32 $0x0;
	[sflag:s0] =	ssyncadd.s32 $0xFFFFF380  }
0x125: {  	[tilespmem:s13], [sflag:$0x7] =	stream.indirect.gather @!p0 [hbm4b:s4+s12], $0x10, s11, s12, $0xb8;
	[tilespmem:$0xC890] =	vst v63  }
0x126: {  	v2 =	vld [tilespmem:s14+$0xBB80]  }
0x127: {  	v3 =	vld [tilespmem:s14+$0xBB90]  }
0x128: {  	v6 =	vld [tilespmem:s14+$0xBBA0]  }
0x129: {  	v7 =	vld [tilespmem:s14+$0xBBB0]  }
0x12a: {  	v9 =	vld [tilespmem:s14+$0xBBC0]  }
0x12b: {  	v10 =	vld [tilespmem:s14+$0xBBD0]  }
0x12c: {  	v11 =	vld [tilespmem:s14+$0xBBE0]  }
0x12d: {  	s11 =	simm.s32 $0x80;
	v12 =	vld [tilespmem:s14+$0xBBF0]  }
0x12e: {  	v5 =	vld [tilespmem:s11+$0xBB80]  }
0x12f: {  	v8 =	vld [tilespmem:s11+$0xBB90]  }
0x130: {  	v4 =	vld [tilespmem:s11+$0xBBA0];
	v3 =	vadd.f32 v3, v2  }
0x131: {  	v1 =	vld [tilespmem:s11+$0xBBB0];
	v13 =	vadd.f32 v7, v6  }
0x132: {  	v2 =	vld [tilespmem:s11+$0xBBC0];
	v10 =	vadd.f32 v10, v9;
	v11 =	vadd.f32 v12, v11  }
0x133: {  	v6 =	vld [tilespmem:s11+$0xBBD0]  }
0x134: {  	s12 =	simm.s32 $0x400;
	v7 =	vld [tilespmem:s11+$0xBBE0];
	v9 =	vadd.f32 v13, v3;
	v10 =	vadd.f32 v11, v10;
	v3 =	vmov v0  }
.LBB2_17:
0x135: {  	p0 =	sne.s32 s12, $0x3000;
	v11 =	vld [tilespmem:s11+$0xBBF0];
	s11 =	sshra.s32 s12, $0x2;
	v12 =	vmov v4  }
0x136: {  	v13 =	vld [tilespmem:s11+$0xBB80];
	v9 =	vadd.f32 v10, v9  }
0x137: {  	v14 =	vld [tilespmem:s11+$0xBB90]  }
.Ltmp7:
0x138: {  	v4 =	vld [tilespmem:s11+$0xBBA0];
	v3 =	vadd.f32 v9, v3;
	(pc) =	sbr.rel @p0 .LBB2_17-.Ltmp7, $4  }
0x139: {  	v15 =	vadd.f32 v8, v5;
	v9 =	vadd.f32 v1, v12;
	v1 =	vld [tilespmem:s11+$0xBBB0]  }
0x13a: {  	v10 =	vadd.f32 v6, v2;
	v2 =	vld [tilespmem:s11+$0xBBC0];
	v11 =	vadd.f32 v11, v7  }
0x13b: {  	v6 =	vld [tilespmem:s11+$0xBBD0];
	v5 =	vmov v13  }
0x13c: {  	s12 =	sadd.s32 $0x200, s12;
	v9 =	vadd.f32 v9, v15;
	v7 =	vld [tilespmem:s11+$0xBBE0];
	v10 =	vadd.f32 v11, v10;
	v8 =	vmov v14  }
0x13d: {  	v11 =	vld [tilespmem:s11+$0xBBF0];
	_ =	sdelay $0x3  }
0x13e: {  	v5 =	vadd.f32 v8, v5;
	v1 =	vadd.f32 v1, v4  }
0x13f: {  	v2 =	vadd.f32 v6, v2;
	v62 =	vadd.f32 v11, v7  }
0x140: {  	v63 =	vadd.f32 v10, v9  }
0x141: {  	v1 =	vadd.f32 v1, v5;
	v2 =	vadd.f32 v62, v2;
	_ =	sdelay $0x1  }
0x142: {  	v3 =	vadd.f32 v63, v3;
	v1 =	vadd.f32 v2, v1;
	_ =	sdelay $0x1  }
0x143: {  	s14 =	sshll.u32 s8, $0x4;
	s8 =	sadd.s32 $0x1, s8;
	v1 =	vadd.f32 v1, v3  }
0x144: {  	p0 =	sne.s32 s8, $0x10  }
.Ltmp8:
0x145: {  	s11 =	sadd.s32 s14, s6;
	[tilespmem:$0xC870] =	vst v1;
	(pc) =	sbr.rel @p0 .LBB2_2-.Ltmp8, $4  }
0x146: {  	[hbm4b:s11+s3] =	stream.linear.scatter [tilespmem:s1], [sflag:$0x9], $0x80, $0x38;
	[tilespmem:$0xC890] =	vst v63  }
0x147: {  	_ =	swait.ge [sflag:s9], $0x80  }
0x148: {  	[sflag:s9] =	ssyncset.done $0x0  }
0x149: {  	[sflag:s9] =	ssyncadd.s32 $0xFFFFFF80  }
0x14a: {  	s2 =	sadd.s32 $0x1, s2  }
0x14b: {  	p0 =	sne.s32 s2, s7  }
.Ltmp9:
0x14c: {  	_ = 	snop;
	(pc) =	sbr.rel @p0 .LBB2_1-.Ltmp9, $1  }
0x14d: {  	_ =	sdelay $0x3  }
0x14e: {  	_ =	sfence.sel $0x180000  }
0x14f: {  	[bflag:$0x0] =	sbarrier.arrive $0xFFFF  }
0x150: {  	_ =	strace $0x90000047  }
0x151: {  	s0 =	stileid.u32;
	[bflag:$0x2] =	sbarrier.arrive $0xFFFF  }
0x152: {  	p0 =	sne.s32 s0, $0x0;
	s0 =	rddreg [dreg:$0x2]  }
0x153: {  	s0 =	sadd.s32 @!p0 $0x100000, s0  }
0x154: {  	[sflag:s0] =	ssyncadd.tile.s32 @!p0 $0x1;
	_ =	shalt  }
.Lfunc_end2:
_tile_overlayer_lowered:
.L_overlay_start_2:
0x155: {  	(tag) =	ssettag $0x2  }
0x156: {  	s0 =	rddreg [dreg:$0x0];
	s2 =	stileid.u32  }
0x157: {  	s1 =	rddreg [dreg:$0x1];
	p0 =	sne.s32 s2, $0x0  }
0x158: {  	s3 =	rddreg [dreg:$0x2];
	[bflag:$0x3] =	sbarrier.arrive $0xFFFF;
	s2 =	simm.s32 @!p0 $0x1C09  }
0x159: {  	[timem:s3], [sflag:s2] =	dma.local @!p0 [hbm:s0], s1  }
0x15a: {  	s0 =	simm.s32 @!p0 $0x9  }
0x15b: {  	_ =	swait.ge @!p0 [sflag:s0], s1  }
0x15c: {  	s1 =	ssub.s32 @!p0 $0x0, s1;
	[sflag:s0] =	ssyncset.done @!p0 $0x0  }
0x15d: {  	[sflag:s0] =	ssyncadd.s32 @!p0 s1  }
0x15e: {  	[bflag:$0x3] =	sbarrier.arrive $0xFFFF  }
0x15f: {  	_ =	shalt  }

</sc_bundles>
